<compile_context>
chip_gen: v7x
topology: tpu7x:2x2x1
jax: 0.10.2.dev20260603
libtpu: 0.0.44.dev20260713+nightly
codegen_flags: <defaults>
</compile_context>

<pallas_src>
import functools

import jax
import jax.numpy as jnp
from jax import lax
from jax.experimental import pallas as pl
from jax.experimental.pallas import tpu as pltpu
from jax.experimental.pallas import tpu_sc as plsc

B = 4096
SEQ = 50
D = 64
HID = 50
OUT = 10
LANES = 16
NC = 2
NS = 16
NW = NC * NS
BPW = B // NW
CB = 8
NCHUNK = BPW // CB
SEQP = 64
DCH = D // LANES


def _bcast_lane(vec, lane):
    idx = jnp.full((LANES, 1), lane, jnp.int32)
    dnums = lax.GatherDimensionNumbers(
        offset_dims=(), collapsed_slice_dims=(0,), start_index_map=(0,))
    return lax.gather(vec, idx, dnums, (1,),
                      mode=lax.GatherScatterMode.PROMISE_IN_BOUNDS)


def _pool_body(x_hbm, tf_hbm, table_hbm, out_hbm, idx_all, emb_v, w_v,
               out_v, sem):
    wid = lax.axis_index("s") * NC + lax.axis_index("c")
    base = wid * BPW

    pltpu.sync_copy(x_hbm.at[pl.ds(base, BPW)], idx_all)

    def chunk_body(ci, carry):
        row0 = ci * CB
        copies = []
        for rr in range(CB):
            copies.append(pltpu.async_copy(
                table_hbm.at[idx_all.at[row0 + rr]],
                emb_v.at[pl.ds(rr * SEQ, SEQ)],
                sem,
            ))
        pltpu.sync_copy(tf_hbm.at[pl.ds(base + row0, CB)], w_v)
        for cp in copies:
            cp.wait()

        def row_body(rr, carry2):
            wch = [w_v[rr, pl.ds(c * LANES, LANES)] for c in range(DCH)]
            accs = [jnp.zeros((LANES,), jnp.float32) for _ in range(DCH)]
            for l in range(SEQ):
                wl = _bcast_lane(wch[l // LANES], l % LANES)
                t = rr * SEQ + l
                for c in range(DCH):
                    accs[c] = accs[c] + wl * emb_v[t, pl.ds(c * LANES, LANES)]
            for c in range(DCH):
                out_v[row0 + rr, pl.ds(c * LANES, LANES)] = accs[c]
            return carry2

        lax.fori_loop(0, CB, row_body, 0)
        return carry

    lax.fori_loop(0, NCHUNK, chunk_body, 0)
    pltpu.sync_copy(out_v, out_hbm.at[pl.ds(base, BPW)])


_pool = functools.partial(
    pl.kernel,
    out_type=jax.ShapeDtypeStruct((B, D), jnp.float32),
    mesh=plsc.VectorSubcoreMesh(
        core_axis_name="c", subcore_axis_name="s",
        num_cores=NC, num_subcores=NS),
    scratch_types=[
        pltpu.VMEM((BPW, SEQ), jnp.int32),
        pltpu.VMEM((CB * SEQ, D), jnp.float32),
        pltpu.VMEM((CB, SEQP), jnp.float32),
        pltpu.VMEM((BPW, D), jnp.float32),
        pltpu.SemaphoreType.DMA,
    ],
    compiler_params=pltpu.CompilerParams(use_tc_tiling_on_sc=False),
)(_pool_body)


def _mlp_body(racc_ref, tf_ref, len_ref, w1_ref, b1_ref, w2_ref, b2_ref,
              out_ref):
    denom = jnp.sum(tf_ref[...], axis=1, keepdims=True)
    scale = 1.0 / (denom * len_ref[...])
    rep = racc_ref[...] * scale
    h = lax.dot_general(rep, w1_ref[...], (((1,), (1,)), ((), ())),
                        preferred_element_type=jnp.float32)
    h = jnp.maximum(h + b1_ref[...], 0.0)
    logits = lax.dot_general(h, w2_ref[...], (((1,), (1,)), ((), ())),
                             preferred_element_type=jnp.float32)
    out_ref[...] = logits + b2_ref[...]


def kernel(x, lengths, tfidf, table, W1, b1, W2, b2):
    xi = x.astype(jnp.int32)
    tf_pad = jnp.pad(tfidf, ((0, 0), (0, SEQP - SEQ)))
    racc = _pool(xi, tf_pad, table)
    len_f = lengths.astype(jnp.float32).reshape(B, 1)
    return pl.pallas_call(
        _mlp_body,
        out_shape=jax.ShapeDtypeStruct((B, OUT), jnp.float32),
    )(racc, tfidf, len_f, W1, b1.reshape(1, HID), W2, b2.reshape(1, OUT))

# --- scband reference (transcript-rebuilt; emitter-appended) ---
"""Pipeline reference for scband-baseline-dnn-82489141887416 (READ-ONLY COPY).

The authoritative reference and input builder live on the scoring server;
editing this copy changes nothing except your own understanding.
"""

import jax, jax.numpy as jnp
import numpy as np

VOCAB = 100000
EMBED_DIM = 64
BATCH = 4096
SEQ = 50
HIDDEN = 50
OUT = 10

def setup_inputs(seed: int = 0) -> dict:
    key = jax.random.key(seed)
    k1, k2, k3, k4, k5, k6 = jax.random.split(key, 6)
    x = jax.random.randint(k1, (BATCH, SEQ), 0, VOCAB, dtype=jnp.int64 if jax.config.jax_enable_x64 else jnp.int32)
    # lengths must be >= 1 to avoid division by zero
    lengths = jnp.clip(jax.random.randint(k2, (BATCH,), 0, 50), 1, None)
    tfidf = jax.random.uniform(k3, (BATCH, SEQ), dtype=jnp.float32) + 1e-3
    table = jax.random.normal(k4, (VOCAB, EMBED_DIM), dtype=jnp.float32)
    W1 = jax.random.normal(k5, (HIDDEN, EMBED_DIM), dtype=jnp.float32) * 0.05
    b1 = jnp.zeros((HIDDEN,), jnp.float32)
    W2 = jax.random.normal(k6, (OUT, HIDDEN), dtype=jnp.float32) * 0.05
    b2 = jnp.zeros((OUT,), jnp.float32)
    return {"x": x, "lengths": lengths, "tfidf": tfidf, "table": table,
            "W1": W1, "b1": b1, "W2": W2, "b2": b2}

def reference(x, lengths, tfidf, table, W1, b1, W2, b2):
    # embedding lookup (gather)
    emb = jnp.take(table, x, axis=0)                      # [B, L, D]
    # tfidf-weight each token embedding; normalize by sum of tfidf per row
    weighted = emb * tfidf[:, :, None]                    # [B, L, D]
    denom = jnp.sum(tfidf, axis=1)                        # [B]
    normed = weighted / denom[:, None, None]              # [B, L, D]
    representations = jnp.sum(normed, axis=1)             # [B, D]
    representations = representations / lengths[:, None].astype(jnp.float32)
    h = jax.nn.relu(representations @ W1.T + b1)          # [B, 50]
    logits = h @ W2.T + b2                                # [B, out]
    return logits

if __name__ == "__main__":
    import jax
    _d = setup_inputs()
    print(jax.jit(kernel)(*tuple(_d.values())))

</pallas_src>

<mosaic_0001>
#map = affine_map<(d0, d1) -> (0, 0)>
module attributes {stable_mosaic.version = 14 : i64} {
  func.func @_pool_body(%arg0: i32, %arg1: i32, %arg2: memref<4096x50xi32, #tpu.memory_space<hbm>>, %arg3: memref<4096x64xf32, #tpu.memory_space<hbm>>, %arg4: memref<100000x64xf32, #tpu.memory_space<hbm>>, %arg5: memref<4096x64xf32, #tpu.memory_space<hbm>>, %arg6: memref<128x50xi32, #tpu.memory_space<vmem>>, %arg7: memref<400x64xf32, #tpu.memory_space<vmem>>, %arg8: memref<8x64xf32, #tpu.memory_space<vmem>>, %arg9: memref<128x64xf32, #tpu.memory_space<vmem>>, %arg10: memref<!tpu.dma_semaphore, #tpu.memory_space<semaphore_mem>>) attributes {dimension_semantics = [#tpu.dimension_semantics<core_parallel>, #tpu.dimension_semantics<subcore_parallel>], iteration_bounds = array<i64: 2, 16>, scalar_prefetch = 0 : i64, scratch_operands = 5 : i64, tpu.core_type = #tpu.core_type<sc_vector_subcore>, window_params = [{transform_indices = #map}, {transform_indices = #map}, {transform_indices = #map}, {transform_indices = #map}]} {
    %mul3A = arith.constant 2 : i32
    %mul3A_0 = arith.muli %arg1, %mul3A : i32
    %add3A = arith.addi %mul3A_0, %arg0 : i32
    %mul3A_1 = arith.constant 128 : i32
    %mul3A_2 = arith.muli %add3A, %mul3A_1 : i32
    "tpu.region"() ({
      %run_scoped3A = tpu.sem_alloc : memref<!tpu.dma_semaphore, #tpu.memory_space<semaphore_mem>>
      %dma_start3A = arith.constant 0 : i32
      %dma_start3A_8 = tpu.memref_slice %arg2[%mul3A_2, %dma_start3A] : memref<4096x50xi32, #tpu.memory_space<hbm>> -> memref<128x50xi32, #tpu.memory_space<hbm>>
      %dma_start3A_9 = arith.constant 0 : i32
      %dma_start3A_10 = tpu.memref_slice %arg2[%mul3A_2, %dma_start3A_9] : memref<4096x50xi32, #tpu.memory_space<hbm>> -> memref<128x50xi32, #tpu.memory_space<hbm>>
      tpu.enqueue_dma source(%dma_start3A_10 : memref<128x50xi32, #tpu.memory_space<hbm>>) target(%arg6 : memref<128x50xi32, #tpu.memory_space<vmem>>) target_semaphore(%run_scoped3A : memref<!tpu.dma_semaphore, #tpu.memory_space<semaphore_mem>>)
      %dma_wait3A = arith.constant 0 : i32
      %dma_wait3A_11 = tpu.memref_slice %arg2[%mul3A_2, %dma_wait3A] : memref<4096x50xi32, #tpu.memory_space<hbm>> -> memref<128x50xi32, #tpu.memory_space<hbm>>
      %dma_wait3A_12 = arith.constant 0 : i32
      %dma_wait3A_13 = tpu.memref_slice %arg2[%mul3A_2, %dma_wait3A_12] : memref<4096x50xi32, #tpu.memory_space<hbm>> -> memref<128x50xi32, #tpu.memory_space<hbm>>
      tpu.wait_dma2 semaphore(%run_scoped3A : memref<!tpu.dma_semaphore, #tpu.memory_space<semaphore_mem>>) src(%dma_wait3A_13 : memref<128x50xi32, #tpu.memory_space<hbm>>) dst(%arg6 : memref<128x50xi32, #tpu.memory_space<vmem>>)
      tpu.yield
    }) : () -> ()
    %scan3A = arith.constant 0 : i32
    %scan3A_3 = arith.constant 0 : i32
    %scan3A_4 = arith.constant 16 : i32
    %scan3A_5 = arith.addi %scan3A_3, %scan3A_4 : i32
    %scan3A_6 = arith.constant 1 : i32
    scf.for %scan3A_8 = %scan3A_3 to %scan3A_5 step %scan3A_6  : i32 {
      %mul3A_9 = arith.constant 8 : i32
      %mul3A_10 = arith.muli %scan3A_8, %mul3A_9 : i32
      %add3A_11 = arith.constant 0 : i32
      %add3A_12 = arith.addi %mul3A_10, %add3A_11 : i32
      %dma_start3A = arith.constant 0 : i32
      %dma_start3A_13 = arith.constant 0 : i32
      %dma_start3A_14 = tpu.memref_slice %arg7[%dma_start3A, %dma_start3A_13] : memref<400x64xf32, #tpu.memory_space<vmem>> -> memref<50x64xf32, #tpu.memory_space<vmem>>
      %dma_start3A_15 = arith.constant 0 : i32
      %dma_start3A_16 = tpu.memref_slice %arg6[%add3A_12, %dma_start3A_15] : memref<128x50xi32, #tpu.memory_space<vmem>> -> memref<1x50xi32, #tpu.memory_space<vmem>>
      %dma_start3A_17 = tpu.memref_squeeze %dma_start3A_16 : memref<1x50xi32, #tpu.memory_space<vmem>> -> memref<50xi32, #tpu.memory_space<vmem>>
      %dma_start3A_18 = arith.constant 0 : i32
      %dma_start3A_19 = arith.constant 0 : i32
      %dma_start3A_20 = tpu.memref_slice %arg4[%dma_start3A_18, %dma_start3A_19] : memref<100000x64xf32, #tpu.memory_space<hbm>> -> memref<100000x64xf32, #tpu.memory_space<hbm>>
      tpu.enqueue_indirect_dma source(%dma_start3A_20 : memref<100000x64xf32, #tpu.memory_space<hbm>>) target(%dma_start3A_14 : memref<50x64xf32, #tpu.memory_space<vmem>>) offsets(%dma_start3A_17 : memref<50xi32, #tpu.memory_space<vmem>>) semaphore(%arg10 : memref<!tpu.dma_semaphore, #tpu.memory_space<semaphore_mem>>)
      %add3A_21 = arith.constant 1 : i32
      %add3A_22 = arith.addi %mul3A_10, %add3A_21 : i32
      %dma_start3A_23 = arith.constant 50 : i32
      %dma_start3A_24 = arith.constant 0 : i32
      %dma_start3A_25 = tpu.memref_slice %arg7[%dma_start3A_23, %dma_start3A_24] : memref<400x64xf32, #tpu.memory_space<vmem>> -> memref<50x64xf32, #tpu.memory_space<vmem>>
      %dma_start3A_26 = arith.constant 0 : i32
      %dma_start3A_27 = tpu.memref_slice %arg6[%add3A_22, %dma_start3A_26] : memref<128x50xi32, #tpu.memory_space<vmem>> -> memref<1x50xi32, #tpu.memory_space<vmem>>
      %dma_start3A_28 = tpu.memref_squeeze %dma_start3A_27 : memref<1x50xi32, #tpu.memory_space<vmem>> -> memref<50xi32, #tpu.memory_space<vmem>>
      %dma_start3A_29 = arith.constant 0 : i32
      %dma_start3A_30 = arith.constant 0 : i32
      %dma_start3A_31 = tpu.memref_slice %arg4[%dma_start3A_29, %dma_start3A_30] : memref<100000x64xf32, #tpu.memory_space<hbm>> -> memref<100000x64xf32, #tpu.memory_space<hbm>>
      tpu.enqueue_indirect_dma source(%dma_start3A_31 : memref<100000x64xf32, #tpu.memory_space<hbm>>) target(%dma_start3A_25 : memref<50x64xf32, #tpu.memory_space<vmem>>) offsets(%dma_start3A_28 : memref<50xi32, #tpu.memory_space<vmem>>) semaphore(%arg10 : memref<!tpu.dma_semaphore, #tpu.memory_space<semaphore_mem>>)
      %add3A_32 = arith.constant 2 : i32
      %add3A_33 = arith.addi %mul3A_10, %add3A_32 : i32
      %dma_start3A_34 = arith.constant 100 : i32
      %dma_start3A_35 = arith.constant 0 : i32
      %dma_start3A_36 = tpu.memref_slice %arg7[%dma_start3A_34, %dma_start3A_35] : memref<400x64xf32, #tpu.memory_space<vmem>> -> memref<50x64xf32, #tpu.memory_space<vmem>>
      %dma_start3A_37 = arith.constant 0 : i32
      %dma_start3A_38 = tpu.memref_slice %arg6[%add3A_33, %dma_start3A_37] : memref<128x50xi32, #tpu.memory_space<vmem>> -> memref<1x50xi32, #tpu.memory_space<vmem>>
      %dma_start3A_39 = tpu.memref_squeeze %dma_start3A_38 : memref<1x50xi32, #tpu.memory_space<vmem>> -> memref<50xi32, #tpu.memory_space<vmem>>
      %dma_start3A_40 = arith.constant 0 : i32
      %dma_start3A_41 = arith.constant 0 : i32
      %dma_start3A_42 = tpu.memref_slice %arg4[%dma_start3A_40, %dma_start3A_41] : memref<100000x64xf32, #tpu.memory_space<hbm>> -> memref<100000x64xf32, #tpu.memory_space<hbm>>
      tpu.enqueue_indirect_dma source(%dma_start3A_42 : memref<100000x64xf32, #tpu.memory_space<hbm>>) target(%dma_start3A_36 : memref<50x64xf32, #tpu.memory_space<vmem>>) offsets(%dma_start3A_39 : memref<50xi32, #tpu.memory_space<vmem>>) semaphore(%arg10 : memref<!tpu.dma_semaphore, #tpu.memory_space<semaphore_mem>>)
      %add3A_43 = arith.constant 3 : i32
      %add3A_44 = arith.addi %mul3A_10, %add3A_43 : i32
      %dma_start3A_45 = arith.constant 150 : i32
      %dma_start3A_46 = arith.constant 0 : i32
      %dma_start3A_47 = tpu.memref_slice %arg7[%dma_start3A_45, %dma_start3A_46] : memref<400x64xf32, #tpu.memory_space<vmem>> -> memref<50x64xf32, #tpu.memory_space<vmem>>
      %dma_start3A_48 = arith.constant 0 : i32
      %dma_start3A_49 = tpu.memref_slice %arg6[%add3A_44, %dma_start3A_48] : memref<128x50xi32, #tpu.memory_space<vmem>> -> memref<1x50xi32, #tpu.memory_space<vmem>>
      %dma_start3A_50 = tpu.memref_squeeze %dma_start3A_49 : memref<1x50xi32, #tpu.memory_space<vmem>> -> memref<50xi32, #tpu.memory_space<vmem>>
      %dma_start3A_51 = arith.constant 0 : i32
      %dma_start3A_52 = arith.constant 0 : i32
      %dma_start3A_53 = tpu.memref_slice %arg4[%dma_start3A_51, %dma_start3A_52] : memref<100000x64xf32, #tpu.memory_space<hbm>> -> memref<100000x64xf32, #tpu.memory_space<hbm>>
      tpu.enqueue_indirect_dma source(%dma_start3A_53 : memref<100000x64xf32, #tpu.memory_space<hbm>>) target(%dma_start3A_47 : memref<50x64xf32, #tpu.memory_space<vmem>>) offsets(%dma_start3A_50 : memref<50xi32, #tpu.memory_space<vmem>>) semaphore(%arg10 : memref<!tpu.dma_semaphore, #tpu.memory_space<semaphore_mem>>)
      %add3A_54 = arith.constant 4 : i32
      %add3A_55 = arith.addi %mul3A_10, %add3A_54 : i32
      %dma_start3A_56 = arith.constant 200 : i32
      %dma_start3A_57 = arith.constant 0 : i32
      %dma_start3A_58 = tpu.memref_slice %arg7[%dma_start3A_56, %dma_start3A_57] : memref<400x64xf32, #tpu.memory_space<vmem>> -> memref<50x64xf32, #tpu.memory_space<vmem>>
      %dma_start3A_59 = arith.constant 0 : i32
      %dma_start3A_60 = tpu.memref_slice %arg6[%add3A_55, %dma_start3A_59] : memref<128x50xi32, #tpu.memory_space<vmem>> -> memref<1x50xi32, #tpu.memory_space<vmem>>
      %dma_start3A_61 = tpu.memref_squeeze %dma_start3A_60 : memref<1x50xi32, #tpu.memory_space<vmem>> -> memref<50xi32, #tpu.memory_space<vmem>>
      %dma_start3A_62 = arith.constant 0 : i32
      %dma_start3A_63 = arith.constant 0 : i32
      %dma_start3A_64 = tpu.memref_slice %arg4[%dma_start3A_62, %dma_start3A_63] : memref<100000x64xf32, #tpu.memory_space<hbm>> -> memref<100000x64xf32, #tpu.memory_space<hbm>>
      tpu.enqueue_indirect_dma source(%dma_start3A_64 : memref<100000x64xf32, #tpu.memory_space<hbm>>) target(%dma_start3A_58 : memref<50x64xf32, #tpu.memory_space<vmem>>) offsets(%dma_start3A_61 : memref<50xi32, #tpu.memory_space<vmem>>) semaphore(%arg10 : memref<!tpu.dma_semaphore, #tpu.memory_space<semaphore_mem>>)
      %add3A_65 = arith.constant 5 : i32
      %add3A_66 = arith.addi %mul3A_10, %add3A_65 : i32
      %dma_start3A_67 = arith.constant 250 : i32
      %dma_start3A_68 = arith.constant 0 : i32
      %dma_start3A_69 = tpu.memref_slice %arg7[%dma_start3A_67, %dma_start3A_68] : memref<400x64xf32, #tpu.memory_space<vmem>> -> memref<50x64xf32, #tpu.memory_space<vmem>>
      %dma_start3A_70 = arith.constant 0 : i32
      %dma_start3A_71 = tpu.memref_slice %arg6[%add3A_66, %dma_start3A_70] : memref<128x50xi32, #tpu.memory_space<vmem>> -> memref<1x50xi32, #tpu.memory_space<vmem>>
      %dma_start3A_72 = tpu.memref_squeeze %dma_start3A_71 : memref<1x50xi32, #tpu.memory_space<vmem>> -> memref<50xi32, #tpu.memory_space<vmem>>
      %dma_start3A_73 = arith.constant 0 : i32
      %dma_start3A_74 = arith.constant 0 : i32
      %dma_start3A_75 = tpu.memref_slice %arg4[%dma_start3A_73, %dma_start3A_74] : memref<100000x64xf32, #tpu.memory_space<hbm>> -> memref<100000x64xf32, #tpu.memory_space<hbm>>
      tpu.enqueue_indirect_dma source(%dma_start3A_75 : memref<100000x64xf32, #tpu.memory_space<hbm>>) target(%dma_start3A_69 : memref<50x64xf32, #tpu.memory_space<vmem>>) offsets(%dma_start3A_72 : memref<50xi32, #tpu.memory_space<vmem>>) semaphore(%arg10 : memref<!tpu.dma_semaphore, #tpu.memory_space<semaphore_mem>>)
      %add3A_76 = arith.constant 6 : i32
      %add3A_77 = arith.addi %mul3A_10, %add3A_76 : i32
      %dma_start3A_78 = arith.constant 300 : i32
      %dma_start3A_79 = arith.constant 0 : i32
      %dma_start3A_80 = tpu.memref_slice %arg7[%dma_start3A_78, %dma_start3A_79] : memref<400x64xf32, #tpu.memory_space<vmem>> -> memref<50x64xf32, #tpu.memory_space<vmem>>
      %dma_start3A_81 = arith.constant 0 : i32
      %dma_start3A_82 = tpu.memref_slice %arg6[%add3A_77, %dma_start3A_81] : memref<128x50xi32, #tpu.memory_space<vmem>> -> memref<1x50xi32, #tpu.memory_space<vmem>>
      %dma_start3A_83 = tpu.memref_squeeze %dma_start3A_82 : memref<1x50xi32, #tpu.memory_space<vmem>> -> memref<50xi32, #tpu.memory_space<vmem>>
      %dma_start3A_84 = arith.constant 0 : i32
      %dma_start3A_85 = arith.constant 0 : i32
      %dma_start3A_86 = tpu.memref_slice %arg4[%dma_start3A_84, %dma_start3A_85] : memref<100000x64xf32, #tpu.memory_space<hbm>> -> memref<100000x64xf32, #tpu.memory_space<hbm>>
      tpu.enqueue_indirect_dma source(%dma_start3A_86 : memref<100000x64xf32, #tpu.memory_space<hbm>>) target(%dma_start3A_80 : memref<50x64xf32, #tpu.memory_space<vmem>>) offsets(%dma_start3A_83 : memref<50xi32, #tpu.memory_space<vmem>>) semaphore(%arg10 : memref<!tpu.dma_semaphore, #tpu.memory_space<semaphore_mem>>)
      %add3A_87 = arith.constant 7 : i32
      %add3A_88 = arith.addi %mul3A_10, %add3A_87 : i32
      %dma_start3A_89 = arith.constant 350 : i32
      %dma_start3A_90 = arith.constant 0 : i32
      %dma_start3A_91 = tpu.memref_slice %arg7[%dma_start3A_89, %dma_start3A_90] : memref<400x64xf32, #tpu.memory_space<vmem>> -> memref<50x64xf32, #tpu.memory_space<vmem>>
      %dma_start3A_92 = arith.constant 0 : i32
      %dma_start3A_93 = tpu.memref_slice %arg6[%add3A_88, %dma_start3A_92] : memref<128x50xi32, #tpu.memory_space<vmem>> -> memref<1x50xi32, #tpu.memory_space<vmem>>
      %dma_start3A_94 = tpu.memref_squeeze %dma_start3A_93 : memref<1x50xi32, #tpu.memory_space<vmem>> -> memref<50xi32, #tpu.memory_space<vmem>>
      %dma_start3A_95 = arith.constant 0 : i32
      %dma_start3A_96 = arith.constant 0 : i32
      %dma_start3A_97 = tpu.memref_slice %arg4[%dma_start3A_95, %dma_start3A_96] : memref<100000x64xf32, #tpu.memory_space<hbm>> -> memref<100000x64xf32, #tpu.memory_space<hbm>>
      tpu.enqueue_indirect_dma source(%dma_start3A_97 : memref<100000x64xf32, #tpu.memory_space<hbm>>) target(%dma_start3A_91 : memref<50x64xf32, #tpu.memory_space<vmem>>) offsets(%dma_start3A_94 : memref<50xi32, #tpu.memory_space<vmem>>) semaphore(%arg10 : memref<!tpu.dma_semaphore, #tpu.memory_space<semaphore_mem>>)
      %add3A_98 = arith.addi %mul3A_2, %mul3A_10 : i32
      "tpu.region"() ({
        %run_scoped3A = tpu.sem_alloc : memref<!tpu.dma_semaphore, #tpu.memory_space<semaphore_mem>>
        %dma_start3A_176 = arith.constant 0 : i32
        %dma_start3A_177 = tpu.memref_slice %arg3[%add3A_98, %dma_start3A_176] : memref<4096x64xf32, #tpu.memory_space<hbm>> -> memref<8x64xf32, #tpu.memory_space<hbm>>
        %dma_start3A_178 = arith.constant 0 : i32
        %dma_start3A_179 = tpu.memref_slice %arg3[%add3A_98, %dma_start3A_178] : memref<4096x64xf32, #tpu.memory_space<hbm>> -> memref<8x64xf32, #tpu.memory_space<hbm>>
        tpu.enqueue_dma source(%dma_start3A_179 : memref<8x64xf32, #tpu.memory_space<hbm>>) target(%arg8 : memref<8x64xf32, #tpu.memory_space<vmem>>) target_semaphore(%run_scoped3A : memref<!tpu.dma_semaphore, #tpu.memory_space<semaphore_mem>>)
        %dma_wait3A_180 = arith.constant 0 : i32
        %dma_wait3A_181 = tpu.memref_slice %arg3[%add3A_98, %dma_wait3A_180] : memref<4096x64xf32, #tpu.memory_space<hbm>> -> memref<8x64xf32, #tpu.memory_space<hbm>>
        %dma_wait3A_182 = arith.constant 0 : i32
        %dma_wait3A_183 = tpu.memref_slice %arg3[%add3A_98, %dma_wait3A_182] : memref<4096x64xf32, #tpu.memory_space<hbm>> -> memref<8x64xf32, #tpu.memory_space<hbm>>
        tpu.wait_dma2 semaphore(%run_scoped3A : memref<!tpu.dma_semaphore, #tpu.memory_space<semaphore_mem>>) src(%dma_wait3A_183 : memref<8x64xf32, #tpu.memory_space<hbm>>) dst(%arg8 : memref<8x64xf32, #tpu.memory_space<vmem>>)
        tpu.yield
      }) : () -> ()
      %dma_wait3A = arith.constant 0 : i32
      %dma_wait3A_99 = arith.constant 0 : i32
      %dma_wait3A_100 = tpu.memref_slice %arg7[%dma_wait3A, %dma_wait3A_99] : memref<400x64xf32, #tpu.memory_space<vmem>> -> memref<50x64xf32, #tpu.memory_space<vmem>>
      %dma_wait3A_101 = arith.constant 0 : i32
      %dma_wait3A_102 = tpu.memref_slice %arg6[%add3A_12, %dma_wait3A_101] : memref<128x50xi32, #tpu.memory_space<vmem>> -> memref<1x50xi32, #tpu.memory_space<vmem>>
      %dma_wait3A_103 = tpu.memref_squeeze %dma_wait3A_102 : memref<1x50xi32, #tpu.memory_space<vmem>> -> memref<50xi32, #tpu.memory_space<vmem>>
      %dma_wait3A_104 = arith.constant 0 : i32
      %dma_wait3A_105 = arith.constant 0 : i32
      %dma_wait3A_106 = tpu.memref_slice %arg4[%dma_wait3A_104, %dma_wait3A_105] : memref<100000x64xf32, #tpu.memory_space<hbm>> -> memref<100000x64xf32, #tpu.memory_space<hbm>>
      tpu.wait_indirect_dma semaphore(%arg10 : memref<!tpu.dma_semaphore, #tpu.memory_space<semaphore_mem>>) src(%dma_wait3A_106 : memref<100000x64xf32, #tpu.memory_space<hbm>>) dst(%dma_wait3A_100 : memref<50x64xf32, #tpu.memory_space<vmem>>)
      %dma_wait3A_107 = arith.constant 50 : i32
      %dma_wait3A_108 = arith.constant 0 : i32
      %dma_wait3A_109 = tpu.memref_slice %arg7[%dma_wait3A_107, %dma_wait3A_108] : memref<400x64xf32, #tpu.memory_space<vmem>> -> memref<50x64xf32, #tpu.memory_space<vmem>>
      %dma_wait3A_110 = arith.constant 0 : i32
      %dma_wait3A_111 = tpu.memref_slice %arg6[%add3A_22, %dma_wait3A_110] : memref<128x50xi32, #tpu.memory_space<vmem>> -> memref<1x50xi32, #tpu.memory_space<vmem>>
      %dma_wait3A_112 = tpu.memref_squeeze %dma_wait3A_111 : memref<1x50xi32, #tpu.memory_space<vmem>> -> memref<50xi32, #tpu.memory_space<vmem>>
      %dma_wait3A_113 = arith.constant 0 : i32
      %dma_wait3A_114 = arith.constant 0 : i32
      %dma_wait3A_115 = tpu.memref_slice %arg4[%dma_wait3A_113, %dma_wait3A_114] : memref<100000x64xf32, #tpu.memory_space<hbm>> -> memref<100000x64xf32, #tpu.memory_space<hbm>>
      tpu.wait_indirect_dma semaphore(%arg10 : memref<!tpu.dma_semaphore, #tpu.memory_space<semaphore_mem>>) src(%dma_wait3A_115 : memref<100000x64xf32, #tpu.memory_space<hbm>>) dst(%dma_wait3A_109 : memref<50x64xf32, #tpu.memory_space<vmem>>)
      %dma_wait3A_116 = arith.constant 100 : i32
      %dma_wait3A_117 = arith.constant 0 : i32
      %dma_wait3A_118 = tpu.memref_slice %arg7[%dma_wait3A_116, %dma_wait3A_117] : memref<400x64xf32, #tpu.memory_space<vmem>> -> memref<50x64xf32, #tpu.memory_space<vmem>>
      %dma_wait3A_119 = arith.constant 0 : i32
      %dma_wait3A_120 = tpu.memref_slice %arg6[%add3A_33, %dma_wait3A_119] : memref<128x50xi32, #tpu.memory_space<vmem>> -> memref<1x50xi32, #tpu.memory_space<vmem>>
      %dma_wait3A_121 = tpu.memref_squeeze %dma_wait3A_120 : memref<1x50xi32, #tpu.memory_space<vmem>> -> memref<50xi32, #tpu.memory_space<vmem>>
      %dma_wait3A_122 = arith.constant 0 : i32
      %dma_wait3A_123 = arith.constant 0 : i32
      %dma_wait3A_124 = tpu.memref_slice %arg4[%dma_wait3A_122, %dma_wait3A_123] : memref<100000x64xf32, #tpu.memory_space<hbm>> -> memref<100000x64xf32, #tpu.memory_space<hbm>>
      tpu.wait_indirect_dma semaphore(%arg10 : memref<!tpu.dma_semaphore, #tpu.memory_space<semaphore_mem>>) src(%dma_wait3A_124 : memref<100000x64xf32, #tpu.memory_space<hbm>>) dst(%dma_wait3A_118 : memref<50x64xf32, #tpu.memory_space<vmem>>)
      %dma_wait3A_125 = arith.constant 150 : i32
      %dma_wait3A_126 = arith.constant 0 : i32
      %dma_wait3A_127 = tpu.memref_slice %arg7[%dma_wait3A_125, %dma_wait3A_126] : memref<400x64xf32, #tpu.memory_space<vmem>> -> memref<50x64xf32, #tpu.memory_space<vmem>>
      %dma_wait3A_128 = arith.constant 0 : i32
      %dma_wait3A_129 = tpu.memref_slice %arg6[%add3A_44, %dma_wait3A_128] : memref<128x50xi32, #tpu.memory_space<vmem>> -> memref<1x50xi32, #tpu.memory_space<vmem>>
      %dma_wait3A_130 = tpu.memref_squeeze %dma_wait3A_129 : memref<1x50xi32, #tpu.memory_space<vmem>> -> memref<50xi32, #tpu.memory_space<vmem>>
      %dma_wait3A_131 = arith.constant 0 : i32
      %dma_wait3A_132 = arith.constant 0 : i32
      %dma_wait3A_133 = tpu.memref_slice %arg4[%dma_wait3A_131, %dma_wait3A_132] : memref<100000x64xf32, #tpu.memory_space<hbm>> -> memref<100000x64xf32, #tpu.memory_space<hbm>>
      tpu.wait_indirect_dma semaphore(%arg10 : memref<!tpu.dma_semaphore, #tpu.memory_space<semaphore_mem>>) src(%dma_wait3A_133 : memref<100000x64xf32, #tpu.memory_space<hbm>>) dst(%dma_wait3A_127 : memref<50x64xf32, #tpu.memory_space<vmem>>)
      %dma_wait3A_134 = arith.constant 200 : i32
      %dma_wait3A_135 = arith.constant 0 : i32
      %dma_wait3A_136 = tpu.memref_slice %arg7[%dma_wait3A_134, %dma_wait3A_135] : memref<400x64xf32, #tpu.memory_space<vmem>> -> memref<50x64xf32, #tpu.memory_space<vmem>>
      %dma_wait3A_137 = arith.constant 0 : i32
      %dma_wait3A_138 = tpu.memref_slice %arg6[%add3A_55, %dma_wait3A_137] : memref<128x50xi32, #tpu.memory_space<vmem>> -> memref<1x50xi32, #tpu.memory_space<vmem>>
      %dma_wait3A_139 = tpu.memref_squeeze %dma_wait3A_138 : memref<1x50xi32, #tpu.memory_space<vmem>> -> memref<50xi32, #tpu.memory_space<vmem>>
      %dma_wait3A_140 = arith.constant 0 : i32
      %dma_wait3A_141 = arith.constant 0 : i32
      %dma_wait3A_142 = tpu.memref_slice %arg4[%dma_wait3A_140, %dma_wait3A_141] : memref<100000x64xf32, #tpu.memory_space<hbm>> -> memref<100000x64xf32, #tpu.memory_space<hbm>>
      tpu.wait_indirect_dma semaphore(%arg10 : memref<!tpu.dma_semaphore, #tpu.memory_space<semaphore_mem>>) src(%dma_wait3A_142 : memref<100000x64xf32, #tpu.memory_space<hbm>>) dst(%dma_wait3A_136 : memref<50x64xf32, #tpu.memory_space<vmem>>)
      %dma_wait3A_143 = arith.constant 250 : i32
      %dma_wait3A_144 = arith.constant 0 : i32
      %dma_wait3A_145 = tpu.memref_slice %arg7[%dma_wait3A_143, %dma_wait3A_144] : memref<400x64xf32, #tpu.memory_space<vmem>> -> memref<50x64xf32, #tpu.memory_space<vmem>>
      %dma_wait3A_146 = arith.constant 0 : i32
      %dma_wait3A_147 = tpu.memref_slice %arg6[%add3A_66, %dma_wait3A_146] : memref<128x50xi32, #tpu.memory_space<vmem>> -> memref<1x50xi32, #tpu.memory_space<vmem>>
      %dma_wait3A_148 = tpu.memref_squeeze %dma_wait3A_147 : memref<1x50xi32, #tpu.memory_space<vmem>> -> memref<50xi32, #tpu.memory_space<vmem>>
      %dma_wait3A_149 = arith.constant 0 : i32
      %dma_wait3A_150 = arith.constant 0 : i32
      %dma_wait3A_151 = tpu.memref_slice %arg4[%dma_wait3A_149, %dma_wait3A_150] : memref<100000x64xf32, #tpu.memory_space<hbm>> -> memref<100000x64xf32, #tpu.memory_space<hbm>>
      tpu.wait_indirect_dma semaphore(%arg10 : memref<!tpu.dma_semaphore, #tpu.memory_space<semaphore_mem>>) src(%dma_wait3A_151 : memref<100000x64xf32, #tpu.memory_space<hbm>>) dst(%dma_wait3A_145 : memref<50x64xf32, #tpu.memory_space<vmem>>)
      %dma_wait3A_152 = arith.constant 300 : i32
      %dma_wait3A_153 = arith.constant 0 : i32
      %dma_wait3A_154 = tpu.memref_slice %arg7[%dma_wait3A_152, %dma_wait3A_153] : memref<400x64xf32, #tpu.memory_space<vmem>> -> memref<50x64xf32, #tpu.memory_space<vmem>>
      %dma_wait3A_155 = arith.constant 0 : i32
      %dma_wait3A_156 = tpu.memref_slice %arg6[%add3A_77, %dma_wait3A_155] : memref<128x50xi32, #tpu.memory_space<vmem>> -> memref<1x50xi32, #tpu.memory_space<vmem>>
      %dma_wait3A_157 = tpu.memref_squeeze %dma_wait3A_156 : memref<1x50xi32, #tpu.memory_space<vmem>> -> memref<50xi32, #tpu.memory_space<vmem>>
      %dma_wait3A_158 = arith.constant 0 : i32
      %dma_wait3A_159 = arith.constant 0 : i32
      %dma_wait3A_160 = tpu.memref_slice %arg4[%dma_wait3A_158, %dma_wait3A_159] : memref<100000x64xf32, #tpu.memory_space<hbm>> -> memref<100000x64xf32, #tpu.memory_space<hbm>>
      tpu.wait_indirect_dma semaphore(%arg10 : memref<!tpu.dma_semaphore, #tpu.memory_space<semaphore_mem>>) src(%dma_wait3A_160 : memref<100000x64xf32, #tpu.memory_space<hbm>>) dst(%dma_wait3A_154 : memref<50x64xf32, #tpu.memory_space<vmem>>)
      %dma_wait3A_161 = arith.constant 350 : i32
      %dma_wait3A_162 = arith.constant 0 : i32
      %dma_wait3A_163 = tpu.memref_slice %arg7[%dma_wait3A_161, %dma_wait3A_162] : memref<400x64xf32, #tpu.memory_space<vmem>> -> memref<50x64xf32, #tpu.memory_space<vmem>>
      %dma_wait3A_164 = arith.constant 0 : i32
      %dma_wait3A_165 = tpu.memref_slice %arg6[%add3A_88, %dma_wait3A_164] : memref<128x50xi32, #tpu.memory_space<vmem>> -> memref<1x50xi32, #tpu.memory_space<vmem>>
      %dma_wait3A_166 = tpu.memref_squeeze %dma_wait3A_165 : memref<1x50xi32, #tpu.memory_space<vmem>> -> memref<50xi32, #tpu.memory_space<vmem>>
      %dma_wait3A_167 = arith.constant 0 : i32
      %dma_wait3A_168 = arith.constant 0 : i32
      %dma_wait3A_169 = tpu.memref_slice %arg4[%dma_wait3A_167, %dma_wait3A_168] : memref<100000x64xf32, #tpu.memory_space<hbm>> -> memref<100000x64xf32, #tpu.memory_space<hbm>>
      tpu.wait_indirect_dma semaphore(%arg10 : memref<!tpu.dma_semaphore, #tpu.memory_space<semaphore_mem>>) src(%dma_wait3A_169 : memref<100000x64xf32, #tpu.memory_space<hbm>>) dst(%dma_wait3A_163 : memref<50x64xf32, #tpu.memory_space<vmem>>)
      %scan3A_170 = arith.constant 0 : i32
      %scan3A_171 = arith.constant 0 : i32
      %scan3A_172 = arith.constant 8 : i32
      %scan3A_173 = arith.addi %scan3A_171, %scan3A_172 : i32
      %scan3A_174 = arith.constant 1 : i32
      scf.for %scan3A_176 = %scan3A_171 to %scan3A_173 step %scan3A_174  : i32 {
        %get3A = arith.index_cast %scan3A_176 : i32 to index
        %get3A_177 = arith.constant 0 : index
        %get3A_178 = tpu.vector_load %arg8[%get3A, %get3A_177] {strides = array<i32>} : memref<8x64xf32, #tpu.memory_space<vmem>>, vector<1x16xf32>,
        %get3A_179 = vector.shape_cast %get3A_178 : vector<1x16xf32> to vector<16xf32>
        %get3A_180 = arith.index_cast %scan3A_176 : i32 to index
        %get3A_181 = arith.constant 16 : index
        %get3A_182 = tpu.vector_load %arg8[%get3A_180, %get3A_181] {strides = array<i32>} : memref<8x64xf32, #tpu.memory_space<vmem>>, vector<1x16xf32>,
        %get3A_183 = vector.shape_cast %get3A_182 : vector<1x16xf32> to vector<16xf32>
        %get3A_184 = arith.index_cast %scan3A_176 : i32 to index
        %get3A_185 = arith.constant 32 : index
        %get3A_186 = tpu.vector_load %arg8[%get3A_184, %get3A_185] {strides = array<i32>} : memref<8x64xf32, #tpu.memory_space<vmem>>, vector<1x16xf32>,
        %get3A_187 = vector.shape_cast %get3A_186 : vector<1x16xf32> to vector<16xf32>
        %get3A_188 = arith.index_cast %scan3A_176 : i32 to index
        %get3A_189 = arith.constant 48 : index
        %get3A_190 = tpu.vector_load %arg8[%get3A_188, %get3A_189] {strides = array<i32>} : memref<8x64xf32, #tpu.memory_space<vmem>>, vector<1x16xf32>,
        %get3A_191 = vector.shape_cast %get3A_190 : vector<1x16xf32> to vector<16xf32>
        %broadcast_in_dim3A = arith.constant 0.000000e+00 : f32
        %broadcast_in_dim3A_192 = vector.broadcast %broadcast_in_dim3A : f32 to vector<16xf32>
        %broadcast_in_dim3A_193 = arith.constant 0.000000e+00 : f32
        %broadcast_in_dim3A_194 = vector.broadcast %broadcast_in_dim3A_193 : f32 to vector<16xf32>
        %broadcast_in_dim3A_195 = arith.constant 0.000000e+00 : f32
        %broadcast_in_dim3A_196 = vector.broadcast %broadcast_in_dim3A_195 : f32 to vector<16xf32>
        %broadcast_in_dim3A_197 = arith.constant 0.000000e+00 : f32
        %broadcast_in_dim3A_198 = vector.broadcast %broadcast_in_dim3A_197 : f32 to vector<16xf32>
        %broadcast_in_dim3A_199 = arith.constant 0 : i32
        %broadcast_in_dim3A_200 = vector.broadcast %broadcast_in_dim3A_199 : i32 to vector<16x1xi32>
        %gather3A = vector.shape_cast %broadcast_in_dim3A_200 : vector<16x1xi32> to vector<16xi32>
        %gather3A_201 = tpu.dynamic_gather %get3A_179[%gather3A] in [0] : vector<16xf32>, vector<16xi32> -> vector<16xf32>
        %mul3A_202 = arith.constant 50 : i32
        %mul3A_203 = arith.muli %scan3A_176, %mul3A_202 : i32
        %add3A_204 = arith.constant 0 : i32
        %add3A_205 = arith.addi %mul3A_203, %add3A_204 : i32
        %get3A_206 = arith.index_cast %add3A_205 : i32 to index
        %get3A_207 = arith.constant 0 : index
        %get3A_208 = tpu.vector_load %arg7[%get3A_206, %get3A_207] {strides = array<i32>} : memref<400x64xf32, #tpu.memory_space<vmem>>, vector<1x16xf32>,
        %get3A_209 = vector.shape_cast %get3A_208 : vector<1x16xf32> to vector<16xf32>
        %mul3A_210 = arith.mulf %gather3A_201, %get3A_209 : vector<16xf32>
        %add3A_211 = arith.addf %broadcast_in_dim3A_192, %mul3A_210 : vector<16xf32>
        %get3A_212 = arith.index_cast %add3A_205 : i32 to index
        %get3A_213 = arith.constant 16 : index
        %get3A_214 = tpu.vector_load %arg7[%get3A_212, %get3A_213] {strides = array<i32>} : memref<400x64xf32, #tpu.memory_space<vmem>>, vector<1x16xf32>,
        %get3A_215 = vector.shape_cast %get3A_214 : vector<1x16xf32> to vector<16xf32>
        %mul3A_216 = arith.mulf %gather3A_201, %get3A_215 : vector<16xf32>
        %add3A_217 = arith.addf %broadcast_in_dim3A_194, %mul3A_216 : vector<16xf32>
        %get3A_218 = arith.index_cast %add3A_205 : i32 to index
        %get3A_219 = arith.constant 32 : index
        %get3A_220 = tpu.vector_load %arg7[%get3A_218, %get3A_219] {strides = array<i32>} : memref<400x64xf32, #tpu.memory_space<vmem>>, vector<1x16xf32>,
        %get3A_221 = vector.shape_cast %get3A_220 : vector<1x16xf32> to vector<16xf32>
        %mul3A_222 = arith.mulf %gather3A_201, %get3A_221 : vector<16xf32>
        %add3A_223 = arith.addf %broadcast_in_dim3A_196, %mul3A_222 : vector<16xf32>
        %get3A_224 = arith.index_cast %add3A_205 : i32 to index
        %get3A_225 = arith.constant 48 : index
        %get3A_226 = tpu.vector_load %arg7[%get3A_224, %get3A_225] {strides = array<i32>} : memref<400x64xf32, #tpu.memory_space<vmem>>, vector<1x16xf32>,
        %get3A_227 = vector.shape_cast %get3A_226 : vector<1x16xf32> to vector<16xf32>
        %mul3A_228 = arith.mulf %gather3A_201, %get3A_227 : vector<16xf32>
        %add3A_229 = arith.addf %broadcast_in_dim3A_198, %mul3A_228 : vector<16xf32>
        %broadcast_in_dim3A_230 = arith.constant 1 : i32
        %broadcast_in_dim3A_231 = vector.broadcast %broadcast_in_dim3A_230 : i32 to vector<16x1xi32>
        %gather3A_232 = vector.shape_cast %broadcast_in_dim3A_231 : vector<16x1xi32> to vector<16xi32>
        %gather3A_233 = tpu.dynamic_gather %get3A_179[%gather3A_232] in [0] : vector<16xf32>, vector<16xi32> -> vector<16xf32>
        %mul3A_234 = arith.constant 50 : i32
        %mul3A_235 = arith.muli %scan3A_176, %mul3A_234 : i32
        %add3A_236 = arith.constant 1 : i32
        %add3A_237 = arith.addi %mul3A_235, %add3A_236 : i32
        %get3A_238 = arith.index_cast %add3A_237 : i32 to index
        %get3A_239 = arith.constant 0 : index
        %get3A_240 = tpu.vector_load %arg7[%get3A_238, %get3A_239] {strides = array<i32>} : memref<400x64xf32, #tpu.memory_space<vmem>>, vector<1x16xf32>,
        %get3A_241 = vector.shape_cast %get3A_240 : vector<1x16xf32> to vector<16xf32>
        %mul3A_242 = arith.mulf %gather3A_233, %get3A_241 : vector<16xf32>
        %add3A_243 = arith.addf %add3A_211, %mul3A_242 : vector<16xf32>
        %get3A_244 = arith.index_cast %add3A_237 : i32 to index
        %get3A_245 = arith.constant 16 : index
        %get3A_246 = tpu.vector_load %arg7[%get3A_244, %get3A_245] {strides = array<i32>} : memref<400x64xf32, #tpu.memory_space<vmem>>, vector<1x16xf32>,
        %get3A_247 = vector.shape_cast %get3A_246 : vector<1x16xf32> to vector<16xf32>
        %mul3A_248 = arith.mulf %gather3A_233, %get3A_247 : vector<16xf32>
        %add3A_249 = arith.addf %add3A_217, %mul3A_248 : vector<16xf32>
        %get3A_250 = arith.index_cast %add3A_237 : i32 to index
        %get3A_251 = arith.constant 32 : index
        %get3A_252 = tpu.vector_load %arg7[%get3A_250, %get3A_251] {strides = array<i32>} : memref<400x64xf32, #tpu.memory_space<vmem>>, vector<1x16xf32>,
        %get3A_253 = vector.shape_cast %get3A_252 : vector<1x16xf32> to vector<16xf32>
        %mul3A_254 = arith.mulf %gather3A_233, %get3A_253 : vector<16xf32>
        %add3A_255 = arith.addf %add3A_223, %mul3A_254 : vector<16xf32>
        %get3A_256 = arith.index_cast %add3A_237 : i32 to index
        %get3A_257 = arith.constant 48 : index
        %get3A_258 = tpu.vector_load %arg7[%get3A_256, %get3A_257] {strides = array<i32>} : memref<400x64xf32, #tpu.memory_space<vmem>>, vector<1x16xf32>,
        %get3A_259 = vector.shape_cast %get3A_258 : vector<1x16xf32> to vector<16xf32>
        %mul3A_260 = arith.mulf %gather3A_233, %get3A_259 : vector<16xf32>
        %add3A_261 = arith.addf %add3A_229, %mul3A_260 : vector<16xf32>
        %broadcast_in_dim3A_262 = arith.constant 2 : i32
        %broadcast_in_dim3A_263 = vector.broadcast %broadcast_in_dim3A_262 : i32 to vector<16x1xi32>
        %gather3A_264 = vector.shape_cast %broadcast_in_dim3A_263 : vector<16x1xi32> to vector<16xi32>
        %gather3A_265 = tpu.dynamic_gather %get3A_179[%gather3A_264] in [0] : vector<16xf32>, vector<16xi32> -> vector<16xf32>
        %mul3A_266 = arith.constant 50 : i32
        %mul3A_267 = arith.muli %scan3A_176, %mul3A_266 : i32
        %add3A_268 = arith.constant 2 : i32
        %add3A_269 = arith.addi %mul3A_267, %add3A_268 : i32
        %get3A_270 = arith.index_cast %add3A_269 : i32 to index
        %get3A_271 = arith.constant 0 : index
        %get3A_272 = tpu.vector_load %arg7[%get3A_270, %get3A_271] {strides = array<i32>} : memref<400x64xf32, #tpu.memory_space<vmem>>, vector<1x16xf32>,
        %get3A_273 = vector.shape_cast %get3A_272 : vector<1x16xf32> to vector<16xf32>
        %mul3A_274 = arith.mulf %gather3A_265, %get3A_273 : vector<16xf32>
        %add3A_275 = arith.addf %add3A_243, %mul3A_274 : vector<16xf32>
        %get3A_276 = arith.index_cast %add3A_269 : i32 to index
        %get3A_277 = arith.constant 16 : index
        %get3A_278 = tpu.vector_load %arg7[%get3A_276, %get3A_277] {strides = array<i32>} : memref<400x64xf32, #tpu.memory_space<vmem>>, vector<1x16xf32>,
        %get3A_279 = vector.shape_cast %get3A_278 : vector<1x16xf32> to vector<16xf32>
        %mul3A_280 = arith.mulf %gather3A_265, %get3A_279 : vector<16xf32>
        %add3A_281 = arith.addf %add3A_249, %mul3A_280 : vector<16xf32>
        %get3A_282 = arith.index_cast %add3A_269 : i32 to index
        %get3A_283 = arith.constant 32 : index
        %get3A_284 = tpu.vector_load %arg7[%get3A_282, %get3A_283] {strides = array<i32>} : memref<400x64xf32, #tpu.memory_space<vmem>>, vector<1x16xf32>,
        %get3A_285 = vector.shape_cast %get3A_284 : vector<1x16xf32> to vector<16xf32>
        %mul3A_286 = arith.mulf %gather3A_265, %get3A_285 : vector<16xf32>
        %add3A_287 = arith.addf %add3A_255, %mul3A_286 : vector<16xf32>
        %get3A_288 = arith.index_cast %add3A_269 : i32 to index
        %get3A_289 = arith.constant 48 : index
        %get3A_290 = tpu.vector_load %arg7[%get3A_288, %get3A_289] {strides = array<i32>} : memref<400x64xf32, #tpu.memory_space<vmem>>, vector<1x16xf32>,
        %get3A_291 = vector.shape_cast %get3A_290 : vector<1x16xf32> to vector<16xf32>
        %mul3A_292 = arith.mulf %gather3A_265, %get3A_291 : vector<16xf32>
        %add3A_293 = arith.addf %add3A_261, %mul3A_292 : vector<16xf32>
        %broadcast_in_dim3A_294 = arith.constant 3 : i32
        %broadcast_in_dim3A_295 = vector.broadcast %broadcast_in_dim3A_294 : i32 to vector<16x1xi32>
        %gather3A_296 = vector.shape_cast %broadcast_in_dim3A_295 : vector<16x1xi32> to vector<16xi32>
        %gather3A_297 = tpu.dynamic_gather %get3A_179[%gather3A_296] in [0] : vector<16xf32>, vector<16xi32> -> vector<16xf32>
        %mul3A_298 = arith.constant 50 : i32
        %mul3A_299 = arith.muli %scan3A_176, %mul3A_298 : i32
        %add3A_300 = arith.constant 3 : i32
        %add3A_301 = arith.addi %mul3A_299, %add3A_300 : i32
        %get3A_302 = arith.index_cast %add3A_301 : i32 to index
        %get3A_303 = arith.constant 0 : index
        %get3A_304 = tpu.vector_load %arg7[%get3A_302, %get3A_303] {strides = array<i32>} : memref<400x64xf32, #tpu.memory_space<vmem>>, vector<1x16xf32>,
        %get3A_305 = vector.shape_cast %get3A_304 : vector<1x16xf32> to vector<16xf32>
        %mul3A_306 = arith.mulf %gather3A_297, %get3A_305 : vector<16xf32>
        %add3A_307 = arith.addf %add3A_275, %mul3A_306 : vector<16xf32>
        %get3A_308 = arith.index_cast %add3A_301 : i32 to index
        %get3A_309 = arith.constant 16 : index
        %get3A_310 = tpu.vector_load %arg7[%get3A_308, %get3A_309] {strides = array<i32>} : memref<400x64xf32, #tpu.memory_space<vmem>>, vector<1x16xf32>,
        %get3A_311 = vector.shape_cast %get3A_310 : vector<1x16xf32> to vector<16xf32>
        %mul3A_312 = arith.mulf %gather3A_297, %get3A_311 : vector<16xf32>
        %add3A_313 = arith.addf %add3A_281, %mul3A_312 : vector<16xf32>
        %get3A_314 = arith.index_cast %add3A_301 : i32 to index
        %get3A_315 = arith.constant 32 : index
        %get3A_316 = tpu.vector_load %arg7[%get3A_314, %get3A_315] {strides = array<i32>} : memref<400x64xf32, #tpu.memory_space<vmem>>, vector<1x16xf32>,
        %get3A_317 = vector.shape_cast %get3A_316 : vector<1x16xf32> to vector<16xf32>
        %mul3A_318 = arith.mulf %gather3A_297, %get3A_317 : vector<16xf32>
        %add3A_319 = arith.addf %add3A_287, %mul3A_318 : vector<16xf32>
        %get3A_320 = arith.index_cast %add3A_301 : i32 to index
        %get3A_321 = arith.constant 48 : index
        %get3A_322 = tpu.vector_load %arg7[%get3A_320, %get3A_321] {strides = array<i32>} : memref<400x64xf32, #tpu.memory_space<vmem>>, vector<1x16xf32>,
        %get3A_323 = vector.shape_cast %get3A_322 : vector<1x16xf32> to vector<16xf32>
        %mul3A_324 = arith.mulf %gather3A_297, %get3A_323 : vector<16xf32>
        %add3A_325 = arith.addf %add3A_293, %mul3A_324 : vector<16xf32>
        %broadcast_in_dim3A_326 = arith.constant 4 : i32
        %broadcast_in_dim3A_327 = vector.broadcast %broadcast_in_dim3A_326 : i32 to vector<16x1xi32>
        %gather3A_328 = vector.shape_cast %broadcast_in_dim3A_327 : vector<16x1xi32> to vector<16xi32>
        %gather3A_329 = tpu.dynamic_gather %get3A_179[%gather3A_328] in [0] : vector<16xf32>, vector<16xi32> -> vector<16xf32>
        %mul3A_330 = arith.constant 50 : i32
        %mul3A_331 = arith.muli %scan3A_176, %mul3A_330 : i32
        %add3A_332 = arith.constant 4 : i32
        %add3A_333 = arith.addi %mul3A_331, %add3A_332 : i32
        %get3A_334 = arith.index_cast %add3A_333 : i32 to index
        %get3A_335 = arith.constant 0 : index
        %get3A_336 = tpu.vector_load %arg7[%get3A_334, %get3A_335] {strides = array<i32>} : memref<400x64xf32, #tpu.memory_space<vmem>>, vector<1x16xf32>,
        %get3A_337 = vector.shape_cast %get3A_336 : vector<1x16xf32> to vector<16xf32>
        %mul3A_338 = arith.mulf %gather3A_329, %get3A_337 : vector<16xf32>
        %add3A_339 = arith.addf %add3A_307, %mul3A_338 : vector<16xf32>
        %get3A_340 = arith.index_cast %add3A_333 : i32 to index
        %get3A_341 = arith.constant 16 : index
        %get3A_342 = tpu.vector_load %arg7[%get3A_340, %get3A_341] {strides = array<i32>} : memref<400x64xf32, #tpu.memory_space<vmem>>, vector<1x16xf32>,
        %get3A_343 = vector.shape_cast %get3A_342 : vector<1x16xf32> to vector<16xf32>
        %mul3A_344 = arith.mulf %gather3A_329, %get3A_343 : vector<16xf32>
        %add3A_345 = arith.addf %add3A_313, %mul3A_344 : vector<16xf32>
        %get3A_346 = arith.index_cast %add3A_333 : i32 to index
        %get3A_347 = arith.constant 32 : index
        %get3A_348 = tpu.vector_load %arg7[%get3A_346, %get3A_347] {strides = array<i32>} : memref<400x64xf32, #tpu.memory_space<vmem>>, vector<1x16xf32>,
        %get3A_349 = vector.shape_cast %get3A_348 : vector<1x16xf32> to vector<16xf32>
        %mul3A_350 = arith.mulf %gather3A_329, %get3A_349 : vector<16xf32>
        %add3A_351 = arith.addf %add3A_319, %mul3A_350 : vector<16xf32>
        %get3A_352 = arith.index_cast %add3A_333 : i32 to index
        %get3A_353 = arith.constant 48 : index
        %get3A_354 = tpu.vector_load %arg7[%get3A_352, %get3A_353] {strides = array<i32>} : memref<400x64xf32, #tpu.memory_space<vmem>>, vector<1x16xf32>,
        %get3A_355 = vector.shape_cast %get3A_354 : vector<1x16xf32> to vector<16xf32>
        %mul3A_356 = arith.mulf %gather3A_329, %get3A_355 : vector<16xf32>
        %add3A_357 = arith.addf %add3A_325, %mul3A_356 : vector<16xf32>
        %broadcast_in_dim3A_358 = arith.constant 5 : i32
        %broadcast_in_dim3A_359 = vector.broadcast %broadcast_in_dim3A_358 : i32 to vector<16x1xi32>
        %gather3A_360 = vector.shape_cast %broadcast_in_dim3A_359 : vector<16x1xi32> to vector<16xi32>
        %gather3A_361 = tpu.dynamic_gather %get3A_179[%gather3A_360] in [0] : vector<16xf32>, vector<16xi32> -> vector<16xf32>
        %mul3A_362 = arith.constant 50 : i32
        %mul3A_363 = arith.muli %scan3A_176, %mul3A_362 : i32
        %add3A_364 = arith.constant 5 : i32
        %add3A_365 = arith.addi %mul3A_363, %add3A_364 : i32
        %get3A_366 = arith.index_cast %add3A_365 : i32 to index
        %get3A_367 = arith.constant 0 : index
        %get3A_368 = tpu.vector_load %arg7[%get3A_366, %get3A_367] {strides = array<i32>} : memref<400x64xf32, #tpu.memory_space<vmem>>, vector<1x16xf32>,
        %get3A_369 = vector.shape_cast %get3A_368 : vector<1x16xf32> to vector<16xf32>
        %mul3A_370 = arith.mulf %gather3A_361, %get3A_369 : vector<16xf32>
        %add3A_371 = arith.addf %add3A_339, %mul3A_370 : vector<16xf32>
        %get3A_372 = arith.index_cast %add3A_365 : i32 to index
        %get3A_373 = arith.constant 16 : index
        %get3A_374 = tpu.vector_load %arg7[%get3A_372, %get3A_373] {strides = array<i32>} : memref<400x64xf32, #tpu.memory_space<vmem>>, vector<1x16xf32>,
        %get3A_375 = vector.shape_cast %get3A_374 : vector<1x16xf32> to vector<16xf32>
        %mul3A_376 = arith.mulf %gather3A_361, %get3A_375 : vector<16xf32>
        %add3A_377 = arith.addf %add3A_345, %mul3A_376 : vector<16xf32>
        %get3A_378 = arith.index_cast %add3A_365 : i32 to index
        %get3A_379 = arith.constant 32 : index
        %get3A_380 = tpu.vector_load %arg7[%get3A_378, %get3A_379] {strides = array<i32>} : memref<400x64xf32, #tpu.memory_space<vmem>>, vector<1x16xf32>,
        %get3A_381 = vector.shape_cast %get3A_380 : vector<1x16xf32> to vector<16xf32>
        %mul3A_382 = arith.mulf %gather3A_361, %get3A_381 : vector<16xf32>
        %add3A_383 = arith.addf %add3A_351, %mul3A_382 : vector<16xf32>
        %get3A_384 = arith.index_cast %add3A_365 : i32 to index
        %get3A_385 = arith.constant 48 : index
        %get3A_386 = tpu.vector_load %arg7[%get3A_384, %get3A_385] {strides = array<i32>} : memref<400x64xf32, #tpu.memory_space<vmem>>, vector<1x16xf32>,
        %get3A_387 = vector.shape_cast %get3A_386 : vector<1x16xf32> to vector<16xf32>
        %mul3A_388 = arith.mulf %gather3A_361, %get3A_387 : vector<16xf32>
        %add3A_389 = arith.addf %add3A_357, %mul3A_388 : vector<16xf32>
        %broadcast_in_dim3A_390 = arith.constant 6 : i32
        %broadcast_in_dim3A_391 = vector.broadcast %broadcast_in_dim3A_390 : i32 to vector<16x1xi32>
        %gather3A_392 = vector.shape_cast %broadcast_in_dim3A_391 : vector<16x1xi32> to vector<16xi32>
        %gather3A_393 = tpu.dynamic_gather %get3A_179[%gather3A_392] in [0] : vector<16xf32>, vector<16xi32> -> vector<16xf32>
        %mul3A_394 = arith.constant 50 : i32
        %mul3A_395 = arith.muli %scan3A_176, %mul3A_394 : i32
        %add3A_396 = arith.constant 6 : i32
        %add3A_397 = arith.addi %mul3A_395, %add3A_396 : i32
        %get3A_398 = arith.index_cast %add3A_397 : i32 to index
        %get3A_399 = arith.constant 0 : index
        %get3A_400 = tpu.vector_load %arg7[%get3A_398, %get3A_399] {strides = array<i32>} : memref<400x64xf32, #tpu.memory_space<vmem>>, vector<1x16xf32>,
        %get3A_401 = vector.shape_cast %get3A_400 : vector<1x16xf32> to vector<16xf32>
        %mul3A_402 = arith.mulf %gather3A_393, %get3A_401 : vector<16xf32>
        %add3A_403 = arith.addf %add3A_371, %mul3A_402 : vector<16xf32>
        %get3A_404 = arith.index_cast %add3A_397 : i32 to index
        %get3A_405 = arith.constant 16 : index
        %get3A_406 = tpu.vector_load %arg7[%get3A_404, %get3A_405] {strides = array<i32>} : memref<400x64xf32, #tpu.memory_space<vmem>>, vector<1x16xf32>,
        %get3A_407 = vector.shape_cast %get3A_406 : vector<1x16xf32> to vector<16xf32>
        %mul3A_408 = arith.mulf %gather3A_393, %get3A_407 : vector<16xf32>
        %add3A_409 = arith.addf %add3A_377, %mul3A_408 : vector<16xf32>
        %get3A_410 = arith.index_cast %add3A_397 : i32 to index
        %get3A_411 = arith.constant 32 : index
        %get3A_412 = tpu.vector_load %arg7[%get3A_410, %get3A_411] {strides = array<i32>} : memref<400x64xf32, #tpu.memory_space<vmem>>, vector<1x16xf32>,
        %get3A_413 = vector.shape_cast %get3A_412 : vector<1x16xf32> to vector<16xf32>
        %mul3A_414 = arith.mulf %gather3A_393, %get3A_413 : vector<16xf32>
        %add3A_415 = arith.addf %add3A_383, %mul3A_414 : vector<16xf32>
        %get3A_416 = arith.index_cast %add3A_397 : i32 to index
        %get3A_417 = arith.constant 48 : index
        %get3A_418 = tpu.vector_load %arg7[%get3A_416, %get3A_417] {strides = array<i32>} : memref<400x64xf32, #tpu.memory_space<vmem>>, vector<1x16xf32>,
        %get3A_419 = vector.shape_cast %get3A_418 : vector<1x16xf32> to vector<16xf32>
        %mul3A_420 = arith.mulf %gather3A_393, %get3A_419 : vector<16xf32>
        %add3A_421 = arith.addf %add3A_389, %mul3A_420 : vector<16xf32>
        %broadcast_in_dim3A_422 = arith.constant 7 : i32
        %broadcast_in_dim3A_423 = vector.broadcast %broadcast_in_dim3A_422 : i32 to vector<16x1xi32>
        %gather3A_424 = vector.shape_cast %broadcast_in_dim3A_423 : vector<16x1xi32> to vector<16xi32>
        %gather3A_425 = tpu.dynamic_gather %get3A_179[%gather3A_424] in [0] : vector<16xf32>, vector<16xi32> -> vector<16xf32>
        %mul3A_426 = arith.constant 50 : i32
        %mul3A_427 = arith.muli %scan3A_176, %mul3A_426 : i32
        %add3A_428 = arith.constant 7 : i32
        %add3A_429 = arith.addi %mul3A_427, %add3A_428 : i32
        %get3A_430 = arith.index_cast %add3A_429 : i32 to index
        %get3A_431 = arith.constant 0 : index
        %get3A_432 = tpu.vector_load %arg7[%get3A_430, %get3A_431] {strides = array<i32>} : memref<400x64xf32, #tpu.memory_space<vmem>>, vector<1x16xf32>,
        %get3A_433 = vector.shape_cast %get3A_432 : vector<1x16xf32> to vector<16xf32>
        %mul3A_434 = arith.mulf %gather3A_425, %get3A_433 : vector<16xf32>
        %add3A_435 = arith.addf %add3A_403, %mul3A_434 : vector<16xf32>
        %get3A_436 = arith.index_cast %add3A_429 : i32 to index
        %get3A_437 = arith.constant 16 : index
        %get3A_438 = tpu.vector_load %arg7[%get3A_436, %get3A_437] {strides = array<i32>} : memref<400x64xf32, #tpu.memory_space<vmem>>, vector<1x16xf32>,
        %get3A_439 = vector.shape_cast %get3A_438 : vector<1x16xf32> to vector<16xf32>
        %mul3A_440 = arith.mulf %gather3A_425, %get3A_439 : vector<16xf32>
        %add3A_441 = arith.addf %add3A_409, %mul3A_440 : vector<16xf32>
        %get3A_442 = arith.index_cast %add3A_429 : i32 to index
        %get3A_443 = arith.constant 32 : index
        %get3A_444 = tpu.vector_load %arg7[%get3A_442, %get3A_443] {strides = array<i32>} : memref<400x64xf32, #tpu.memory_space<vmem>>, vector<1x16xf32>,
        %get3A_445 = vector.shape_cast %get3A_444 : vector<1x16xf32> to vector<16xf32>
        %mul3A_446 = arith.mulf %gather3A_425, %get3A_445 : vector<16xf32>
        %add3A_447 = arith.addf %add3A_415, %mul3A_446 : vector<16xf32>
        %get3A_448 = arith.index_cast %add3A_429 : i32 to index
        %get3A_449 = arith.constant 48 : index
        %get3A_450 = tpu.vector_load %arg7[%get3A_448, %get3A_449] {strides = array<i32>} : memref<400x64xf32, #tpu.memory_space<vmem>>, vector<1x16xf32>,
        %get3A_451 = vector.shape_cast %get3A_450 : vector<1x16xf32> to vector<16xf32>
        %mul3A_452 = arith.mulf %gather3A_425, %get3A_451 : vector<16xf32>
        %add3A_453 = arith.addf %add3A_421, %mul3A_452 : vector<16xf32>
        %broadcast_in_dim3A_454 = arith.constant 8 : i32
        %broadcast_in_dim3A_455 = vector.broadcast %broadcast_in_dim3A_454 : i32 to vector<16x1xi32>
        %gather3A_456 = vector.shape_cast %broadcast_in_dim3A_455 : vector<16x1xi32> to vector<16xi32>
        %gather3A_457 = tpu.dynamic_gather %get3A_179[%gather3A_456] in [0] : vector<16xf32>, vector<16xi32> -> vector<16xf32>
        %mul3A_458 = arith.constant 50 : i32
        %mul3A_459 = arith.muli %scan3A_176, %mul3A_458 : i32
        %add3A_460 = arith.constant 8 : i32
        %add3A_461 = arith.addi %mul3A_459, %add3A_460 : i32
        %get3A_462 = arith.index_cast %add3A_461 : i32 to index
        %get3A_463 = arith.constant 0 : index
        %get3A_464 = tpu.vector_load %arg7[%get3A_462, %get3A_463] {strides = array<i32>} : memref<400x64xf32, #tpu.memory_space<vmem>>, vector<1x16xf32>,
        %get3A_465 = vector.shape_cast %get3A_464 : vector<1x16xf32> to vector<16xf32>
        %mul3A_466 = arith.mulf %gather3A_457, %get3A_465 : vector<16xf32>
        %add3A_467 = arith.addf %add3A_435, %mul3A_466 : vector<16xf32>
        %get3A_468 = arith.index_cast %add3A_461 : i32 to index
        %get3A_469 = arith.constant 16 : index
        %get3A_470 = tpu.vector_load %arg7[%get3A_468, %get3A_469] {strides = array<i32>} : memref<400x64xf32, #tpu.memory_space<vmem>>, vector<1x16xf32>,
        %get3A_471 = vector.shape_cast %get3A_470 : vector<1x16xf32> to vector<16xf32>
        %mul3A_472 = arith.mulf %gather3A_457, %get3A_471 : vector<16xf32>
        %add3A_473 = arith.addf %add3A_441, %mul3A_472 : vector<16xf32>
        %get3A_474 = arith.index_cast %add3A_461 : i32 to index
        %get3A_475 = arith.constant 32 : index
        %get3A_476 = tpu.vector_load %arg7[%get3A_474, %get3A_475] {strides = array<i32>} : memref<400x64xf32, #tpu.memory_space<vmem>>, vector<1x16xf32>,
        %get3A_477 = vector.shape_cast %get3A_476 : vector<1x16xf32> to vector<16xf32>
        %mul3A_478 = arith.mulf %gather3A_457, %get3A_477 : vector<16xf32>
        %add3A_479 = arith.addf %add3A_447, %mul3A_478 : vector<16xf32>
        %get3A_480 = arith.index_cast %add3A_461 : i32 to index
        %get3A_481 = arith.constant 48 : index
        %get3A_482 = tpu.vector_load %arg7[%get3A_480, %get3A_481] {strides = array<i32>} : memref<400x64xf32, #tpu.memory_space<vmem>>, vector<1x16xf32>,
        %get3A_483 = vector.shape_cast %get3A_482 : vector<1x16xf32> to vector<16xf32>
        %mul3A_484 = arith.mulf %gather3A_457, %get3A_483 : vector<16xf32>
        %add3A_485 = arith.addf %add3A_453, %mul3A_484 : vector<16xf32>
        %broadcast_in_dim3A_486 = arith.constant 9 : i32
        %broadcast_in_dim3A_487 = vector.broadcast %broadcast_in_dim3A_486 : i32 to vector<16x1xi32>
        %gather3A_488 = vector.shape_cast %broadcast_in_dim3A_487 : vector<16x1xi32> to vector<16xi32>
        %gather3A_489 = tpu.dynamic_gather %get3A_179[%gather3A_488] in [0] : vector<16xf32>, vector<16xi32> -> vector<16xf32>
        %mul3A_490 = arith.constant 50 : i32
        %mul3A_491 = arith.muli %scan3A_176, %mul3A_490 : i32
        %add3A_492 = arith.constant 9 : i32
        %add3A_493 = arith.addi %mul3A_491, %add3A_492 : i32
        %get3A_494 = arith.index_cast %add3A_493 : i32 to index
        %get3A_495 = arith.constant 0 : index
        %get3A_496 = tpu.vector_load %arg7[%get3A_494, %get3A_495] {strides = array<i32>} : memref<400x64xf32, #tpu.memory_space<vmem>>, vector<1x16xf32>,
        %get3A_497 = vector.shape_cast %get3A_496 : vector<1x16xf32> to vector<16xf32>
        %mul3A_498 = arith.mulf %gather3A_489, %get3A_497 : vector<16xf32>
        %add3A_499 = arith.addf %add3A_467, %mul3A_498 : vector<16xf32>
        %get3A_500 = arith.index_cast %add3A_493 : i32 to index
        %get3A_501 = arith.constant 16 : index
        %get3A_502 = tpu.vector_load %arg7[%get3A_500, %get3A_501] {strides = array<i32>} : memref<400x64xf32, #tpu.memory_space<vmem>>, vector<1x16xf32>,
        %get3A_503 = vector.shape_cast %get3A_502 : vector<1x16xf32> to vector<16xf32>
        %mul3A_504 = arith.mulf %gather3A_489, %get3A_503 : vector<16xf32>
        %add3A_505 = arith.addf %add3A_473, %mul3A_504 : vector<16xf32>
        %get3A_506 = arith.index_cast %add3A_493 : i32 to index
        %get3A_507 = arith.constant 32 : index
        %get3A_508 = tpu.vector_load %arg7[%get3A_506, %get3A_507] {strides = array<i32>} : memref<400x64xf32, #tpu.memory_space<vmem>>, vector<1x16xf32>,
        %get3A_509 = vector.shape_cast %get3A_508 : vector<1x16xf32> to vector<16xf32>
        %mul3A_510 = arith.mulf %gather3A_489, %get3A_509 : vector<16xf32>
        %add3A_511 = arith.addf %add3A_479, %mul3A_510 : vector<16xf32>
        %get3A_512 = arith.index_cast %add3A_493 : i32 to index
        %get3A_513 = arith.constant 48 : index
        %get3A_514 = tpu.vector_load %arg7[%get3A_512, %get3A_513] {strides = array<i32>} : memref<400x64xf32, #tpu.memory_space<vmem>>, vector<1x16xf32>,
        %get3A_515 = vector.shape_cast %get3A_514 : vector<1x16xf32> to vector<16xf32>
        %mul3A_516 = arith.mulf %gather3A_489, %get3A_515 : vector<16xf32>
        %add3A_517 = arith.addf %add3A_485, %mul3A_516 : vector<16xf32>
        %broadcast_in_dim3A_518 = arith.constant 10 : i32
        %broadcast_in_dim3A_519 = vector.broadcast %broadcast_in_dim3A_518 : i32 to vector<16x1xi32>
        %gather3A_520 = vector.shape_cast %broadcast_in_dim3A_519 : vector<16x1xi32> to vector<16xi32>
        %gather3A_521 = tpu.dynamic_gather %get3A_179[%gather3A_520] in [0] : vector<16xf32>, vector<16xi32> -> vector<16xf32>
        %mul3A_522 = arith.constant 50 : i32
        %mul3A_523 = arith.muli %scan3A_176, %mul3A_522 : i32
        %add3A_524 = arith.constant 10 : i32
        %add3A_525 = arith.addi %mul3A_523, %add3A_524 : i32
        %get3A_526 = arith.index_cast %add3A_525 : i32 to index
        %get3A_527 = arith.constant 0 : index
        %get3A_528 = tpu.vector_load %arg7[%get3A_526, %get3A_527] {strides = array<i32>} : memref<400x64xf32, #tpu.memory_space<vmem>>, vector<1x16xf32>,
        %get3A_529 = vector.shape_cast %get3A_528 : vector<1x16xf32> to vector<16xf32>
        %mul3A_530 = arith.mulf %gather3A_521, %get3A_529 : vector<16xf32>
        %add3A_531 = arith.addf %add3A_499, %mul3A_530 : vector<16xf32>
        %get3A_532 = arith.index_cast %add3A_525 : i32 to index
        %get3A_533 = arith.constant 16 : index
        %get3A_534 = tpu.vector_load %arg7[%get3A_532, %get3A_533] {strides = array<i32>} : memref<400x64xf32, #tpu.memory_space<vmem>>, vector<1x16xf32>,
        %get3A_535 = vector.shape_cast %get3A_534 : vector<1x16xf32> to vector<16xf32>
        %mul3A_536 = arith.mulf %gather3A_521, %get3A_535 : vector<16xf32>
        %add3A_537 = arith.addf %add3A_505, %mul3A_536 : vector<16xf32>
        %get3A_538 = arith.index_cast %add3A_525 : i32 to index
        %get3A_539 = arith.constant 32 : index
        %get3A_540 = tpu.vector_load %arg7[%get3A_538, %get3A_539] {strides = array<i32>} : memref<400x64xf32, #tpu.memory_space<vmem>>, vector<1x16xf32>,
        %get3A_541 = vector.shape_cast %get3A_540 : vector<1x16xf32> to vector<16xf32>
        %mul3A_542 = arith.mulf %gather3A_521, %get3A_541 : vector<16xf32>
        %add3A_543 = arith.addf %add3A_511, %mul3A_542 : vector<16xf32>
        %get3A_544 = arith.index_cast %add3A_525 : i32 to index
        %get3A_545 = arith.constant 48 : index
        %get3A_546 = tpu.vector_load %arg7[%get3A_544, %get3A_545] {strides = array<i32>} : memref<400x64xf32, #tpu.memory_space<vmem>>, vector<1x16xf32>,
        %get3A_547 = vector.shape_cast %get3A_546 : vector<1x16xf32> to vector<16xf32>
        %mul3A_548 = arith.mulf %gather3A_521, %get3A_547 : vector<16xf32>
        %add3A_549 = arith.addf %add3A_517, %mul3A_548 : vector<16xf32>
        %broadcast_in_dim3A_550 = arith.constant 11 : i32
        %broadcast_in_dim3A_551 = vector.broadcast %broadcast_in_dim3A_550 : i32 to vector<16x1xi32>
        %gather3A_552 = vector.shape_cast %broadcast_in_dim3A_551 : vector<16x1xi32> to vector<16xi32>
        %gather3A_553 = tpu.dynamic_gather %get3A_179[%gather3A_552] in [0] : vector<16xf32>, vector<16xi32> -> vector<16xf32>
        %mul3A_554 = arith.constant 50 : i32
        %mul3A_555 = arith.muli %scan3A_176, %mul3A_554 : i32
        %add3A_556 = arith.constant 11 : i32
        %add3A_557 = arith.addi %mul3A_555, %add3A_556 : i32
        %get3A_558 = arith.index_cast %add3A_557 : i32 to index
        %get3A_559 = arith.constant 0 : index
        %get3A_560 = tpu.vector_load %arg7[%get3A_558, %get3A_559] {strides = array<i32>} : memref<400x64xf32, #tpu.memory_space<vmem>>, vector<1x16xf32>,
        %get3A_561 = vector.shape_cast %get3A_560 : vector<1x16xf32> to vector<16xf32>
        %mul3A_562 = arith.mulf %gather3A_553, %get3A_561 : vector<16xf32>
        %add3A_563 = arith.addf %add3A_531, %mul3A_562 : vector<16xf32>
        %get3A_564 = arith.index_cast %add3A_557 : i32 to index
        %get3A_565 = arith.constant 16 : index
        %get3A_566 = tpu.vector_load %arg7[%get3A_564, %get3A_565] {strides = array<i32>} : memref<400x64xf32, #tpu.memory_space<vmem>>, vector<1x16xf32>,
        %get3A_567 = vector.shape_cast %get3A_566 : vector<1x16xf32> to vector<16xf32>
        %mul3A_568 = arith.mulf %gather3A_553, %get3A_567 : vector<16xf32>
        %add3A_569 = arith.addf %add3A_537, %mul3A_568 : vector<16xf32>
        %get3A_570 = arith.index_cast %add3A_557 : i32 to index
        %get3A_571 = arith.constant 32 : index
        %get3A_572 = tpu.vector_load %arg7[%get3A_570, %get3A_571] {strides = array<i32>} : memref<400x64xf32, #tpu.memory_space<vmem>>, vector<1x16xf32>,
        %get3A_573 = vector.shape_cast %get3A_572 : vector<1x16xf32> to vector<16xf32>
        %mul3A_574 = arith.mulf %gather3A_553, %get3A_573 : vector<16xf32>
        %add3A_575 = arith.addf %add3A_543, %mul3A_574 : vector<16xf32>
        %get3A_576 = arith.index_cast %add3A_557 : i32 to index
        %get3A_577 = arith.constant 48 : index
        %get3A_578 = tpu.vector_load %arg7[%get3A_576, %get3A_577] {strides = array<i32>} : memref<400x64xf32, #tpu.memory_space<vmem>>, vector<1x16xf32>,
        %get3A_579 = vector.shape_cast %get3A_578 : vector<1x16xf32> to vector<16xf32>
        %mul3A_580 = arith.mulf %gather3A_553, %get3A_579 : vector<16xf32>
        %add3A_581 = arith.addf %add3A_549, %mul3A_580 : vector<16xf32>
        %broadcast_in_dim3A_582 = arith.constant 12 : i32
        %broadcast_in_dim3A_583 = vector.broadcast %broadcast_in_dim3A_582 : i32 to vector<16x1xi32>
        %gather3A_584 = vector.shape_cast %broadcast_in_dim3A_583 : vector<16x1xi32> to vector<16xi32>
        %gather3A_585 = tpu.dynamic_gather %get3A_179[%gather3A_584] in [0] : vector<16xf32>, vector<16xi32> -> vector<16xf32>
        %mul3A_586 = arith.constant 50 : i32
        %mul3A_587 = arith.muli %scan3A_176, %mul3A_586 : i32
        %add3A_588 = arith.constant 12 : i32
        %add3A_589 = arith.addi %mul3A_587, %add3A_588 : i32
        %get3A_590 = arith.index_cast %add3A_589 : i32 to index
        %get3A_591 = arith.constant 0 : index
        %get3A_592 = tpu.vector_load %arg7[%get3A_590, %get3A_591] {strides = array<i32>} : memref<400x64xf32, #tpu.memory_space<vmem>>, vector<1x16xf32>,
        %get3A_593 = vector.shape_cast %get3A_592 : vector<1x16xf32> to vector<16xf32>
        %mul3A_594 = arith.mulf %gather3A_585, %get3A_593 : vector<16xf32>
        %add3A_595 = arith.addf %add3A_563, %mul3A_594 : vector<16xf32>
        %get3A_596 = arith.index_cast %add3A_589 : i32 to index
        %get3A_597 = arith.constant 16 : index
        %get3A_598 = tpu.vector_load %arg7[%get3A_596, %get3A_597] {strides = array<i32>} : memref<400x64xf32, #tpu.memory_space<vmem>>, vector<1x16xf32>,
        %get3A_599 = vector.shape_cast %get3A_598 : vector<1x16xf32> to vector<16xf32>
        %mul3A_600 = arith.mulf %gather3A_585, %get3A_599 : vector<16xf32>
        %add3A_601 = arith.addf %add3A_569, %mul3A_600 : vector<16xf32>
        %get3A_602 = arith.index_cast %add3A_589 : i32 to index
        %get3A_603 = arith.constant 32 : index
        %get3A_604 = tpu.vector_load %arg7[%get3A_602, %get3A_603] {strides = array<i32>} : memref<400x64xf32, #tpu.memory_space<vmem>>, vector<1x16xf32>,
        %get3A_605 = vector.shape_cast %get3A_604 : vector<1x16xf32> to vector<16xf32>
        %mul3A_606 = arith.mulf %gather3A_585, %get3A_605 : vector<16xf32>
        %add3A_607 = arith.addf %add3A_575, %mul3A_606 : vector<16xf32>
        %get3A_608 = arith.index_cast %add3A_589 : i32 to index
        %get3A_609 = arith.constant 48 : index
        %get3A_610 = tpu.vector_load %arg7[%get3A_608, %get3A_609] {strides = array<i32>} : memref<400x64xf32, #tpu.memory_space<vmem>>, vector<1x16xf32>,
        %get3A_611 = vector.shape_cast %get3A_610 : vector<1x16xf32> to vector<16xf32>
        %mul3A_612 = arith.mulf %gather3A_585, %get3A_611 : vector<16xf32>
        %add3A_613 = arith.addf %add3A_581, %mul3A_612 : vector<16xf32>
        %broadcast_in_dim3A_614 = arith.constant 13 : i32
        %broadcast_in_dim3A_615 = vector.broadcast %broadcast_in_dim3A_614 : i32 to vector<16x1xi32>
        %gather3A_616 = vector.shape_cast %broadcast_in_dim3A_615 : vector<16x1xi32> to vector<16xi32>
        %gather3A_617 = tpu.dynamic_gather %get3A_179[%gather3A_616] in [0] : vector<16xf32>, vector<16xi32> -> vector<16xf32>
        %mul3A_618 = arith.constant 50 : i32
        %mul3A_619 = arith.muli %scan3A_176, %mul3A_618 : i32
        %add3A_620 = arith.constant 13 : i32
        %add3A_621 = arith.addi %mul3A_619, %add3A_620 : i32
        %get3A_622 = arith.index_cast %add3A_621 : i32 to index
        %get3A_623 = arith.constant 0 : index
        %get3A_624 = tpu.vector_load %arg7[%get3A_622, %get3A_623] {strides = array<i32>} : memref<400x64xf32, #tpu.memory_space<vmem>>, vector<1x16xf32>,
        %get3A_625 = vector.shape_cast %get3A_624 : vector<1x16xf32> to vector<16xf32>
        %mul3A_626 = arith.mulf %gather3A_617, %get3A_625 : vector<16xf32>
        %add3A_627 = arith.addf %add3A_595, %mul3A_626 : vector<16xf32>
        %get3A_628 = arith.index_cast %add3A_621 : i32 to index
        %get3A_629 = arith.constant 16 : index
        %get3A_630 = tpu.vector_load %arg7[%get3A_628, %get3A_629] {strides = array<i32>} : memref<400x64xf32, #tpu.memory_space<vmem>>, vector<1x16xf32>,
        %get3A_631 = vector.shape_cast %get3A_630 : vector<1x16xf32> to vector<16xf32>
        %mul3A_632 = arith.mulf %gather3A_617, %get3A_631 : vector<16xf32>
        %add3A_633 = arith.addf %add3A_601, %mul3A_632 : vector<16xf32>
        %get3A_634 = arith.index_cast %add3A_621 : i32 to index
        %get3A_635 = arith.constant 32 : index
        %get3A_636 = tpu.vector_load %arg7[%get3A_634, %get3A_635] {strides = array<i32>} : memref<400x64xf32, #tpu.memory_space<vmem>>, vector<1x16xf32>,
        %get3A_637 = vector.shape_cast %get3A_636 : vector<1x16xf32> to vector<16xf32>
        %mul3A_638 = arith.mulf %gather3A_617, %get3A_637 : vector<16xf32>
        %add3A_639 = arith.addf %add3A_607, %mul3A_638 : vector<16xf32>
        %get3A_640 = arith.index_cast %add3A_621 : i32 to index
        %get3A_641 = arith.constant 48 : index
        %get3A_642 = tpu.vector_load %arg7[%get3A_640, %get3A_641] {strides = array<i32>} : memref<400x64xf32, #tpu.memory_space<vmem>>, vector<1x16xf32>,
        %get3A_643 = vector.shape_cast %get3A_642 : vector<1x16xf32> to vector<16xf32>
        %mul3A_644 = arith.mulf %gather3A_617, %get3A_643 : vector<16xf32>
        %add3A_645 = arith.addf %add3A_613, %mul3A_644 : vector<16xf32>
        %broadcast_in_dim3A_646 = arith.constant 14 : i32
        %broadcast_in_dim3A_647 = vector.broadcast %broadcast_in_dim3A_646 : i32 to vector<16x1xi32>
        %gather3A_648 = vector.shape_cast %broadcast_in_dim3A_647 : vector<16x1xi32> to vector<16xi32>
        %gather3A_649 = tpu.dynamic_gather %get3A_179[%gather3A_648] in [0] : vector<16xf32>, vector<16xi32> -> vector<16xf32>
        %mul3A_650 = arith.constant 50 : i32
        %mul3A_651 = arith.muli %scan3A_176, %mul3A_650 : i32
        %add3A_652 = arith.constant 14 : i32
        %add3A_653 = arith.addi %mul3A_651, %add3A_652 : i32
        %get3A_654 = arith.index_cast %add3A_653 : i32 to index
        %get3A_655 = arith.constant 0 : index
        %get3A_656 = tpu.vector_load %arg7[%get3A_654, %get3A_655] {strides = array<i32>} : memref<400x64xf32, #tpu.memory_space<vmem>>, vector<1x16xf32>,
        %get3A_657 = vector.shape_cast %get3A_656 : vector<1x16xf32> to vector<16xf32>
        %mul3A_658 = arith.mulf %gather3A_649, %get3A_657 : vector<16xf32>
        %add3A_659 = arith.addf %add3A_627, %mul3A_658 : vector<16xf32>
        %get3A_660 = arith.index_cast %add3A_653 : i32 to index
        %get3A_661 = arith.constant 16 : index
        %get3A_662 = tpu.vector_load %arg7[%get3A_660, %get3A_661] {strides = array<i32>} : memref<400x64xf32, #tpu.memory_space<vmem>>, vector<1x16xf32>,
        %get3A_663 = vector.shape_cast %get3A_662 : vector<1x16xf32> to vector<16xf32>
        %mul3A_664 = arith.mulf %gather3A_649, %get3A_663 : vector<16xf32>
        %add3A_665 = arith.addf %add3A_633, %mul3A_664 : vector<16xf32>
        %get3A_666 = arith.index_cast %add3A_653 : i32 to index
        %get3A_667 = arith.constant 32 : index
        %get3A_668 = tpu.vector_load %arg7[%get3A_666, %get3A_667] {strides = array<i32>} : memref<400x64xf32, #tpu.memory_space<vmem>>, vector<1x16xf32>,
        %get3A_669 = vector.shape_cast %get3A_668 : vector<1x16xf32> to vector<16xf32>
        %mul3A_670 = arith.mulf %gather3A_649, %get3A_669 : vector<16xf32>
        %add3A_671 = arith.addf %add3A_639, %mul3A_670 : vector<16xf32>
        %get3A_672 = arith.index_cast %add3A_653 : i32 to index
        %get3A_673 = arith.constant 48 : index
        %get3A_674 = tpu.vector_load %arg7[%get3A_672, %get3A_673] {strides = array<i32>} : memref<400x64xf32, #tpu.memory_space<vmem>>, vector<1x16xf32>,
        %get3A_675 = vector.shape_cast %get3A_674 : vector<1x16xf32> to vector<16xf32>
        %mul3A_676 = arith.mulf %gather3A_649, %get3A_675 : vector<16xf32>
        %add3A_677 = arith.addf %add3A_645, %mul3A_676 : vector<16xf32>
        %broadcast_in_dim3A_678 = arith.constant 15 : i32
        %broadcast_in_dim3A_679 = vector.broadcast %broadcast_in_dim3A_678 : i32 to vector<16x1xi32>
        %gather3A_680 = vector.shape_cast %broadcast_in_dim3A_679 : vector<16x1xi32> to vector<16xi32>
        %gather3A_681 = tpu.dynamic_gather %get3A_179[%gather3A_680] in [0] : vector<16xf32>, vector<16xi32> -> vector<16xf32>
        %mul3A_682 = arith.constant 50 : i32
        %mul3A_683 = arith.muli %scan3A_176, %mul3A_682 : i32
        %add3A_684 = arith.constant 15 : i32
        %add3A_685 = arith.addi %mul3A_683, %add3A_684 : i32
        %get3A_686 = arith.index_cast %add3A_685 : i32 to index
        %get3A_687 = arith.constant 0 : index
        %get3A_688 = tpu.vector_load %arg7[%get3A_686, %get3A_687] {strides = array<i32>} : memref<400x64xf32, #tpu.memory_space<vmem>>, vector<1x16xf32>,
        %get3A_689 = vector.shape_cast %get3A_688 : vector<1x16xf32> to vector<16xf32>
        %mul3A_690 = arith.mulf %gather3A_681, %get3A_689 : vector<16xf32>
        %add3A_691 = arith.addf %add3A_659, %mul3A_690 : vector<16xf32>
        %get3A_692 = arith.index_cast %add3A_685 : i32 to index
        %get3A_693 = arith.constant 16 : index
        %get3A_694 = tpu.vector_load %arg7[%get3A_692, %get3A_693] {strides = array<i32>} : memref<400x64xf32, #tpu.memory_space<vmem>>, vector<1x16xf32>,
        %get3A_695 = vector.shape_cast %get3A_694 : vector<1x16xf32> to vector<16xf32>
        %mul3A_696 = arith.mulf %gather3A_681, %get3A_695 : vector<16xf32>
        %add3A_697 = arith.addf %add3A_665, %mul3A_696 : vector<16xf32>
        %get3A_698 = arith.index_cast %add3A_685 : i32 to index
        %get3A_699 = arith.constant 32 : index
        %get3A_700 = tpu.vector_load %arg7[%get3A_698, %get3A_699] {strides = array<i32>} : memref<400x64xf32, #tpu.memory_space<vmem>>, vector<1x16xf32>,
        %get3A_701 = vector.shape_cast %get3A_700 : vector<1x16xf32> to vector<16xf32>
        %mul3A_702 = arith.mulf %gather3A_681, %get3A_701 : vector<16xf32>
        %add3A_703 = arith.addf %add3A_671, %mul3A_702 : vector<16xf32>
        %get3A_704 = arith.index_cast %add3A_685 : i32 to index
        %get3A_705 = arith.constant 48 : index
        %get3A_706 = tpu.vector_load %arg7[%get3A_704, %get3A_705] {strides = array<i32>} : memref<400x64xf32, #tpu.memory_space<vmem>>, vector<1x16xf32>,
        %get3A_707 = vector.shape_cast %get3A_706 : vector<1x16xf32> to vector<16xf32>
        %mul3A_708 = arith.mulf %gather3A_681, %get3A_707 : vector<16xf32>
        %add3A_709 = arith.addf %add3A_677, %mul3A_708 : vector<16xf32>
        %broadcast_in_dim3A_710 = arith.constant 0 : i32
        %broadcast_in_dim3A_711 = vector.broadcast %broadcast_in_dim3A_710 : i32 to vector<16x1xi32>
        %gather3A_712 = vector.shape_cast %broadcast_in_dim3A_711 : vector<16x1xi32> to vector<16xi32>
        %gather3A_713 = tpu.dynamic_gather %get3A_183[%gather3A_712] in [0] : vector<16xf32>, vector<16xi32> -> vector<16xf32>
        %mul3A_714 = arith.constant 50 : i32
        %mul3A_715 = arith.muli %scan3A_176, %mul3A_714 : i32
        %add3A_716 = arith.constant 16 : i32
        %add3A_717 = arith.addi %mul3A_715, %add3A_716 : i32
        %get3A_718 = arith.index_cast %add3A_717 : i32 to index
        %get3A_719 = arith.constant 0 : index
        %get3A_720 = tpu.vector_load %arg7[%get3A_718, %get3A_719] {strides = array<i32>} : memref<400x64xf32, #tpu.memory_space<vmem>>, vector<1x16xf32>,
        %get3A_721 = vector.shape_cast %get3A_720 : vector<1x16xf32> to vector<16xf32>
        %mul3A_722 = arith.mulf %gather3A_713, %get3A_721 : vector<16xf32>
        %add3A_723 = arith.addf %add3A_691, %mul3A_722 : vector<16xf32>
        %get3A_724 = arith.index_cast %add3A_717 : i32 to index
        %get3A_725 = arith.constant 16 : index
        %get3A_726 = tpu.vector_load %arg7[%get3A_724, %get3A_725] {strides = array<i32>} : memref<400x64xf32, #tpu.memory_space<vmem>>, vector<1x16xf32>,
        %get3A_727 = vector.shape_cast %get3A_726 : vector<1x16xf32> to vector<16xf32>
        %mul3A_728 = arith.mulf %gather3A_713, %get3A_727 : vector<16xf32>
        %add3A_729 = arith.addf %add3A_697, %mul3A_728 : vector<16xf32>
        %get3A_730 = arith.index_cast %add3A_717 : i32 to index
        %get3A_731 = arith.constant 32 : index
        %get3A_732 = tpu.vector_load %arg7[%get3A_730, %get3A_731] {strides = array<i32>} : memref<400x64xf32, #tpu.memory_space<vmem>>, vector<1x16xf32>,
        %get3A_733 = vector.shape_cast %get3A_732 : vector<1x16xf32> to vector<16xf32>
        %mul3A_734 = arith.mulf %gather3A_713, %get3A_733 : vector<16xf32>
        %add3A_735 = arith.addf %add3A_703, %mul3A_734 : vector<16xf32>
        %get3A_736 = arith.index_cast %add3A_717 : i32 to index
        %get3A_737 = arith.constant 48 : index
        %get3A_738 = tpu.vector_load %arg7[%get3A_736, %get3A_737] {strides = array<i32>} : memref<400x64xf32, #tpu.memory_space<vmem>>, vector<1x16xf32>,
        %get3A_739 = vector.shape_cast %get3A_738 : vector<1x16xf32> to vector<16xf32>
        %mul3A_740 = arith.mulf %gather3A_713, %get3A_739 : vector<16xf32>
        %add3A_741 = arith.addf %add3A_709, %mul3A_740 : vector<16xf32>
        %broadcast_in_dim3A_742 = arith.constant 1 : i32
        %broadcast_in_dim3A_743 = vector.broadcast %broadcast_in_dim3A_742 : i32 to vector<16x1xi32>
        %gather3A_744 = vector.shape_cast %broadcast_in_dim3A_743 : vector<16x1xi32> to vector<16xi32>
        %gather3A_745 = tpu.dynamic_gather %get3A_183[%gather3A_744] in [0] : vector<16xf32>, vector<16xi32> -> vector<16xf32>
        %mul3A_746 = arith.constant 50 : i32
        %mul3A_747 = arith.muli %scan3A_176, %mul3A_746 : i32
        %add3A_748 = arith.constant 17 : i32
        %add3A_749 = arith.addi %mul3A_747, %add3A_748 : i32
        %get3A_750 = arith.index_cast %add3A_749 : i32 to index
        %get3A_751 = arith.constant 0 : index
        %get3A_752 = tpu.vector_load %arg7[%get3A_750, %get3A_751] {strides = array<i32>} : memref<400x64xf32, #tpu.memory_space<vmem>>, vector<1x16xf32>,
        %get3A_753 = vector.shape_cast %get3A_752 : vector<1x16xf32> to vector<16xf32>
        %mul3A_754 = arith.mulf %gather3A_745, %get3A_753 : vector<16xf32>
        %add3A_755 = arith.addf %add3A_723, %mul3A_754 : vector<16xf32>
        %get3A_756 = arith.index_cast %add3A_749 : i32 to index
        %get3A_757 = arith.constant 16 : index
        %get3A_758 = tpu.vector_load %arg7[%get3A_756, %get3A_757] {strides = array<i32>} : memref<400x64xf32, #tpu.memory_space<vmem>>, vector<1x16xf32>,
        %get3A_759 = vector.shape_cast %get3A_758 : vector<1x16xf32> to vector<16xf32>
        %mul3A_760 = arith.mulf %gather3A_745, %get3A_759 : vector<16xf32>
        %add3A_761 = arith.addf %add3A_729, %mul3A_760 : vector<16xf32>
        %get3A_762 = arith.index_cast %add3A_749 : i32 to index
        %get3A_763 = arith.constant 32 : index
        %get3A_764 = tpu.vector_load %arg7[%get3A_762, %get3A_763] {strides = array<i32>} : memref<400x64xf32, #tpu.memory_space<vmem>>, vector<1x16xf32>,
        %get3A_765 = vector.shape_cast %get3A_764 : vector<1x16xf32> to vector<16xf32>
        %mul3A_766 = arith.mulf %gather3A_745, %get3A_765 : vector<16xf32>
        %add3A_767 = arith.addf %add3A_735, %mul3A_766 : vector<16xf32>
        %get3A_768 = arith.index_cast %add3A_749 : i32 to index
        %get3A_769 = arith.constant 48 : index
        %get3A_770 = tpu.vector_load %arg7[%get3A_768, %get3A_769] {strides = array<i32>} : memref<400x64xf32, #tpu.memory_space<vmem>>, vector<1x16xf32>,
        %get3A_771 = vector.shape_cast %get3A_770 : vector<1x16xf32> to vector<16xf32>
        %mul3A_772 = arith.mulf %gather3A_745, %get3A_771 : vector<16xf32>
        %add3A_773 = arith.addf %add3A_741, %mul3A_772 : vector<16xf32>
        %broadcast_in_dim3A_774 = arith.constant 2 : i32
        %broadcast_in_dim3A_775 = vector.broadcast %broadcast_in_dim3A_774 : i32 to vector<16x1xi32>
        %gather3A_776 = vector.shape_cast %broadcast_in_dim3A_775 : vector<16x1xi32> to vector<16xi32>
        %gather3A_777 = tpu.dynamic_gather %get3A_183[%gather3A_776] in [0] : vector<16xf32>, vector<16xi32> -> vector<16xf32>
        %mul3A_778 = arith.constant 50 : i32
        %mul3A_779 = arith.muli %scan3A_176, %mul3A_778 : i32
        %add3A_780 = arith.constant 18 : i32
        %add3A_781 = arith.addi %mul3A_779, %add3A_780 : i32
        %get3A_782 = arith.index_cast %add3A_781 : i32 to index
        %get3A_783 = arith.constant 0 : index
        %get3A_784 = tpu.vector_load %arg7[%get3A_782, %get3A_783] {strides = array<i32>} : memref<400x64xf32, #tpu.memory_space<vmem>>, vector<1x16xf32>,
        %get3A_785 = vector.shape_cast %get3A_784 : vector<1x16xf32> to vector<16xf32>
        %mul3A_786 = arith.mulf %gather3A_777, %get3A_785 : vector<16xf32>
        %add3A_787 = arith.addf %add3A_755, %mul3A_786 : vector<16xf32>
        %get3A_788 = arith.index_cast %add3A_781 : i32 to index
        %get3A_789 = arith.constant 16 : index
        %get3A_790 = tpu.vector_load %arg7[%get3A_788, %get3A_789] {strides = array<i32>} : memref<400x64xf32, #tpu.memory_space<vmem>>, vector<1x16xf32>,
        %get3A_791 = vector.shape_cast %get3A_790 : vector<1x16xf32> to vector<16xf32>
        %mul3A_792 = arith.mulf %gather3A_777, %get3A_791 : vector<16xf32>
        %add3A_793 = arith.addf %add3A_761, %mul3A_792 : vector<16xf32>
        %get3A_794 = arith.index_cast %add3A_781 : i32 to index
        %get3A_795 = arith.constant 32 : index
        %get3A_796 = tpu.vector_load %arg7[%get3A_794, %get3A_795] {strides = array<i32>} : memref<400x64xf32, #tpu.memory_space<vmem>>, vector<1x16xf32>,
        %get3A_797 = vector.shape_cast %get3A_796 : vector<1x16xf32> to vector<16xf32>
        %mul3A_798 = arith.mulf %gather3A_777, %get3A_797 : vector<16xf32>
        %add3A_799 = arith.addf %add3A_767, %mul3A_798 : vector<16xf32>
        %get3A_800 = arith.index_cast %add3A_781 : i32 to index
        %get3A_801 = arith.constant 48 : index
        %get3A_802 = tpu.vector_load %arg7[%get3A_800, %get3A_801] {strides = array<i32>} : memref<400x64xf32, #tpu.memory_space<vmem>>, vector<1x16xf32>,
        %get3A_803 = vector.shape_cast %get3A_802 : vector<1x16xf32> to vector<16xf32>
        %mul3A_804 = arith.mulf %gather3A_777, %get3A_803 : vector<16xf32>
        %add3A_805 = arith.addf %add3A_773, %mul3A_804 : vector<16xf32>
        %broadcast_in_dim3A_806 = arith.constant 3 : i32
        %broadcast_in_dim3A_807 = vector.broadcast %broadcast_in_dim3A_806 : i32 to vector<16x1xi32>
        %gather3A_808 = vector.shape_cast %broadcast_in_dim3A_807 : vector<16x1xi32> to vector<16xi32>
        %gather3A_809 = tpu.dynamic_gather %get3A_183[%gather3A_808] in [0] : vector<16xf32>, vector<16xi32> -> vector<16xf32>
        %mul3A_810 = arith.constant 50 : i32
        %mul3A_811 = arith.muli %scan3A_176, %mul3A_810 : i32
        %add3A_812 = arith.constant 19 : i32
        %add3A_813 = arith.addi %mul3A_811, %add3A_812 : i32
        %get3A_814 = arith.index_cast %add3A_813 : i32 to index
        %get3A_815 = arith.constant 0 : index
        %get3A_816 = tpu.vector_load %arg7[%get3A_814, %get3A_815] {strides = array<i32>} : memref<400x64xf32, #tpu.memory_space<vmem>>, vector<1x16xf32>,
        %get3A_817 = vector.shape_cast %get3A_816 : vector<1x16xf32> to vector<16xf32>
        %mul3A_818 = arith.mulf %gather3A_809, %get3A_817 : vector<16xf32>
        %add3A_819 = arith.addf %add3A_787, %mul3A_818 : vector<16xf32>
        %get3A_820 = arith.index_cast %add3A_813 : i32 to index
        %get3A_821 = arith.constant 16 : index
        %get3A_822 = tpu.vector_load %arg7[%get3A_820, %get3A_821] {strides = array<i32>} : memref<400x64xf32, #tpu.memory_space<vmem>>, vector<1x16xf32>,
        %get3A_823 = vector.shape_cast %get3A_822 : vector<1x16xf32> to vector<16xf32>
        %mul3A_824 = arith.mulf %gather3A_809, %get3A_823 : vector<16xf32>
        %add3A_825 = arith.addf %add3A_793, %mul3A_824 : vector<16xf32>
        %get3A_826 = arith.index_cast %add3A_813 : i32 to index
        %get3A_827 = arith.constant 32 : index
        %get3A_828 = tpu.vector_load %arg7[%get3A_826, %get3A_827] {strides = array<i32>} : memref<400x64xf32, #tpu.memory_space<vmem>>, vector<1x16xf32>,
        %get3A_829 = vector.shape_cast %get3A_828 : vector<1x16xf32> to vector<16xf32>
        %mul3A_830 = arith.mulf %gather3A_809, %get3A_829 : vector<16xf32>
        %add3A_831 = arith.addf %add3A_799, %mul3A_830 : vector<16xf32>
        %get3A_832 = arith.index_cast %add3A_813 : i32 to index
        %get3A_833 = arith.constant 48 : index
        %get3A_834 = tpu.vector_load %arg7[%get3A_832, %get3A_833] {strides = array<i32>} : memref<400x64xf32, #tpu.memory_space<vmem>>, vector<1x16xf32>,
        %get3A_835 = vector.shape_cast %get3A_834 : vector<1x16xf32> to vector<16xf32>
        %mul3A_836 = arith.mulf %gather3A_809, %get3A_835 : vector<16xf32>
        %add3A_837 = arith.addf %add3A_805, %mul3A_836 : vector<16xf32>
        %broadcast_in_dim3A_838 = arith.constant 4 : i32
        %broadcast_in_dim3A_839 = vector.broadcast %broadcast_in_dim3A_838 : i32 to vector<16x1xi32>
        %gather3A_840 = vector.shape_cast %broadcast_in_dim3A_839 : vector<16x1xi32> to vector<16xi32>
        %gather3A_841 = tpu.dynamic_gather %get3A_183[%gather3A_840] in [0] : vector<16xf32>, vector<16xi32> -> vector<16xf32>
        %mul3A_842 = arith.constant 50 : i32
        %mul3A_843 = arith.muli %scan3A_176, %mul3A_842 : i32
        %add3A_844 = arith.constant 20 : i32
        %add3A_845 = arith.addi %mul3A_843, %add3A_844 : i32
        %get3A_846 = arith.index_cast %add3A_845 : i32 to index
        %get3A_847 = arith.constant 0 : index
        %get3A_848 = tpu.vector_load %arg7[%get3A_846, %get3A_847] {strides = array<i32>} : memref<400x64xf32, #tpu.memory_space<vmem>>, vector<1x16xf32>,
        %get3A_849 = vector.shape_cast %get3A_848 : vector<1x16xf32> to vector<16xf32>
        %mul3A_850 = arith.mulf %gather3A_841, %get3A_849 : vector<16xf32>
        %add3A_851 = arith.addf %add3A_819, %mul3A_850 : vector<16xf32>
        %get3A_852 = arith.index_cast %add3A_845 : i32 to index
        %get3A_853 = arith.constant 16 : index
        %get3A_854 = tpu.vector_load %arg7[%get3A_852, %get3A_853] {strides = array<i32>} : memref<400x64xf32, #tpu.memory_space<vmem>>, vector<1x16xf32>,
        %get3A_855 = vector.shape_cast %get3A_854 : vector<1x16xf32> to vector<16xf32>
        %mul3A_856 = arith.mulf %gather3A_841, %get3A_855 : vector<16xf32>
        %add3A_857 = arith.addf %add3A_825, %mul3A_856 : vector<16xf32>
        %get3A_858 = arith.index_cast %add3A_845 : i32 to index
        %get3A_859 = arith.constant 32 : index
        %get3A_860 = tpu.vector_load %arg7[%get3A_858, %get3A_859] {strides = array<i32>} : memref<400x64xf32, #tpu.memory_space<vmem>>, vector<1x16xf32>,
        %get3A_861 = vector.shape_cast %get3A_860 : vector<1x16xf32> to vector<16xf32>
        %mul3A_862 = arith.mulf %gather3A_841, %get3A_861 : vector<16xf32>
        %add3A_863 = arith.addf %add3A_831, %mul3A_862 : vector<16xf32>
        %get3A_864 = arith.index_cast %add3A_845 : i32 to index
        %get3A_865 = arith.constant 48 : index
        %get3A_866 = tpu.vector_load %arg7[%get3A_864, %get3A_865] {strides = array<i32>} : memref<400x64xf32, #tpu.memory_space<vmem>>, vector<1x16xf32>,
        %get3A_867 = vector.shape_cast %get3A_866 : vector<1x16xf32> to vector<16xf32>
        %mul3A_868 = arith.mulf %gather3A_841, %get3A_867 : vector<16xf32>
        %add3A_869 = arith.addf %add3A_837, %mul3A_868 : vector<16xf32>
        %broadcast_in_dim3A_870 = arith.constant 5 : i32
        %broadcast_in_dim3A_871 = vector.broadcast %broadcast_in_dim3A_870 : i32 to vector<16x1xi32>
        %gather3A_872 = vector.shape_cast %broadcast_in_dim3A_871 : vector<16x1xi32> to vector<16xi32>
        %gather3A_873 = tpu.dynamic_gather %get3A_183[%gather3A_872] in [0] : vector<16xf32>, vector<16xi32> -> vector<16xf32>
        %mul3A_874 = arith.constant 50 : i32
        %mul3A_875 = arith.muli %scan3A_176, %mul3A_874 : i32
        %add3A_876 = arith.constant 21 : i32
        %add3A_877 = arith.addi %mul3A_875, %add3A_876 : i32
        %get3A_878 = arith.index_cast %add3A_877 : i32 to index
        %get3A_879 = arith.constant 0 : index
        %get3A_880 = tpu.vector_load %arg7[%get3A_878, %get3A_879] {strides = array<i32>} : memref<400x64xf32, #tpu.memory_space<vmem>>, vector<1x16xf32>,
        %get3A_881 = vector.shape_cast %get3A_880 : vector<1x16xf32> to vector<16xf32>
        %mul3A_882 = arith.mulf %gather3A_873, %get3A_881 : vector<16xf32>
        %add3A_883 = arith.addf %add3A_851, %mul3A_882 : vector<16xf32>
        %get3A_884 = arith.index_cast %add3A_877 : i32 to index
        %get3A_885 = arith.constant 16 : index
        %get3A_886 = tpu.vector_load %arg7[%get3A_884, %get3A_885] {strides = array<i32>} : memref<400x64xf32, #tpu.memory_space<vmem>>, vector<1x16xf32>,
        %get3A_887 = vector.shape_cast %get3A_886 : vector<1x16xf32> to vector<16xf32>
        %mul3A_888 = arith.mulf %gather3A_873, %get3A_887 : vector<16xf32>
        %add3A_889 = arith.addf %add3A_857, %mul3A_888 : vector<16xf32>
        %get3A_890 = arith.index_cast %add3A_877 : i32 to index
        %get3A_891 = arith.constant 32 : index
        %get3A_892 = tpu.vector_load %arg7[%get3A_890, %get3A_891] {strides = array<i32>} : memref<400x64xf32, #tpu.memory_space<vmem>>, vector<1x16xf32>,
        %get3A_893 = vector.shape_cast %get3A_892 : vector<1x16xf32> to vector<16xf32>
        %mul3A_894 = arith.mulf %gather3A_873, %get3A_893 : vector<16xf32>
        %add3A_895 = arith.addf %add3A_863, %mul3A_894 : vector<16xf32>
        %get3A_896 = arith.index_cast %add3A_877 : i32 to index
        %get3A_897 = arith.constant 48 : index
        %get3A_898 = tpu.vector_load %arg7[%get3A_896, %get3A_897] {strides = array<i32>} : memref<400x64xf32, #tpu.memory_space<vmem>>, vector<1x16xf32>,
        %get3A_899 = vector.shape_cast %get3A_898 : vector<1x16xf32> to vector<16xf32>
        %mul3A_900 = arith.mulf %gather3A_873, %get3A_899 : vector<16xf32>
        %add3A_901 = arith.addf %add3A_869, %mul3A_900 : vector<16xf32>
        %broadcast_in_dim3A_902 = arith.constant 6 : i32
        %broadcast_in_dim3A_903 = vector.broadcast %broadcast_in_dim3A_902 : i32 to vector<16x1xi32>
        %gather3A_904 = vector.shape_cast %broadcast_in_dim3A_903 : vector<16x1xi32> to vector<16xi32>
        %gather3A_905 = tpu.dynamic_gather %get3A_183[%gather3A_904] in [0] : vector<16xf32>, vector<16xi32> -> vector<16xf32>
        %mul3A_906 = arith.constant 50 : i32
        %mul3A_907 = arith.muli %scan3A_176, %mul3A_906 : i32
        %add3A_908 = arith.constant 22 : i32
        %add3A_909 = arith.addi %mul3A_907, %add3A_908 : i32
        %get3A_910 = arith.index_cast %add3A_909 : i32 to index
        %get3A_911 = arith.constant 0 : index
        %get3A_912 = tpu.vector_load %arg7[%get3A_910, %get3A_911] {strides = array<i32>} : memref<400x64xf32, #tpu.memory_space<vmem>>, vector<1x16xf32>,
        %get3A_913 = vector.shape_cast %get3A_912 : vector<1x16xf32> to vector<16xf32>
        %mul3A_914 = arith.mulf %gather3A_905, %get3A_913 : vector<16xf32>
        %add3A_915 = arith.addf %add3A_883, %mul3A_914 : vector<16xf32>
        %get3A_916 = arith.index_cast %add3A_909 : i32 to index
        %get3A_917 = arith.constant 16 : index
        %get3A_918 = tpu.vector_load %arg7[%get3A_916, %get3A_917] {strides = array<i32>} : memref<400x64xf32, #tpu.memory_space<vmem>>, vector<1x16xf32>,
        %get3A_919 = vector.shape_cast %get3A_918 : vector<1x16xf32> to vector<16xf32>
        %mul3A_920 = arith.mulf %gather3A_905, %get3A_919 : vector<16xf32>
        %add3A_921 = arith.addf %add3A_889, %mul3A_920 : vector<16xf32>
        %get3A_922 = arith.index_cast %add3A_909 : i32 to index
        %get3A_923 = arith.constant 32 : index
        %get3A_924 = tpu.vector_load %arg7[%get3A_922, %get3A_923] {strides = array<i32>} : memref<400x64xf32, #tpu.memory_space<vmem>>, vector<1x16xf32>,
        %get3A_925 = vector.shape_cast %get3A_924 : vector<1x16xf32> to vector<16xf32>
        %mul3A_926 = arith.mulf %gather3A_905, %get3A_925 : vector<16xf32>
        %add3A_927 = arith.addf %add3A_895, %mul3A_926 : vector<16xf32>
        %get3A_928 = arith.index_cast %add3A_909 : i32 to index
        %get3A_929 = arith.constant 48 : index
        %get3A_930 = tpu.vector_load %arg7[%get3A_928, %get3A_929] {strides = array<i32>} : memref<400x64xf32, #tpu.memory_space<vmem>>, vector<1x16xf32>,
        %get3A_931 = vector.shape_cast %get3A_930 : vector<1x16xf32> to vector<16xf32>
        %mul3A_932 = arith.mulf %gather3A_905, %get3A_931 : vector<16xf32>
        %add3A_933 = arith.addf %add3A_901, %mul3A_932 : vector<16xf32>
        %broadcast_in_dim3A_934 = arith.constant 7 : i32
        %broadcast_in_dim3A_935 = vector.broadcast %broadcast_in_dim3A_934 : i32 to vector<16x1xi32>
        %gather3A_936 = vector.shape_cast %broadcast_in_dim3A_935 : vector<16x1xi32> to vector<16xi32>
        %gather3A_937 = tpu.dynamic_gather %get3A_183[%gather3A_936] in [0] : vector<16xf32>, vector<16xi32> -> vector<16xf32>
        %mul3A_938 = arith.constant 50 : i32
        %mul3A_939 = arith.muli %scan3A_176, %mul3A_938 : i32
        %add3A_940 = arith.constant 23 : i32
        %add3A_941 = arith.addi %mul3A_939, %add3A_940 : i32
        %get3A_942 = arith.index_cast %add3A_941 : i32 to index
        %get3A_943 = arith.constant 0 : index
        %get3A_944 = tpu.vector_load %arg7[%get3A_942, %get3A_943] {strides = array<i32>} : memref<400x64xf32, #tpu.memory_space<vmem>>, vector<1x16xf32>,
        %get3A_945 = vector.shape_cast %get3A_944 : vector<1x16xf32> to vector<16xf32>
        %mul3A_946 = arith.mulf %gather3A_937, %get3A_945 : vector<16xf32>
        %add3A_947 = arith.addf %add3A_915, %mul3A_946 : vector<16xf32>
        %get3A_948 = arith.index_cast %add3A_941 : i32 to index
        %get3A_949 = arith.constant 16 : index
        %get3A_950 = tpu.vector_load %arg7[%get3A_948, %get3A_949] {strides = array<i32>} : memref<400x64xf32, #tpu.memory_space<vmem>>, vector<1x16xf32>,
        %get3A_951 = vector.shape_cast %get3A_950 : vector<1x16xf32> to vector<16xf32>
        %mul3A_952 = arith.mulf %gather3A_937, %get3A_951 : vector<16xf32>
        %add3A_953 = arith.addf %add3A_921, %mul3A_952 : vector<16xf32>
        %get3A_954 = arith.index_cast %add3A_941 : i32 to index
        %get3A_955 = arith.constant 32 : index
        %get3A_956 = tpu.vector_load %arg7[%get3A_954, %get3A_955] {strides = array<i32>} : memref<400x64xf32, #tpu.memory_space<vmem>>, vector<1x16xf32>,
        %get3A_957 = vector.shape_cast %get3A_956 : vector<1x16xf32> to vector<16xf32>
        %mul3A_958 = arith.mulf %gather3A_937, %get3A_957 : vector<16xf32>
        %add3A_959 = arith.addf %add3A_927, %mul3A_958 : vector<16xf32>
        %get3A_960 = arith.index_cast %add3A_941 : i32 to index
        %get3A_961 = arith.constant 48 : index
        %get3A_962 = tpu.vector_load %arg7[%get3A_960, %get3A_961] {strides = array<i32>} : memref<400x64xf32, #tpu.memory_space<vmem>>, vector<1x16xf32>,
        %get3A_963 = vector.shape_cast %get3A_962 : vector<1x16xf32> to vector<16xf32>
        %mul3A_964 = arith.mulf %gather3A_937, %get3A_963 : vector<16xf32>
        %add3A_965 = arith.addf %add3A_933, %mul3A_964 : vector<16xf32>
        %broadcast_in_dim3A_966 = arith.constant 8 : i32
        %broadcast_in_dim3A_967 = vector.broadcast %broadcast_in_dim3A_966 : i32 to vector<16x1xi32>
        %gather3A_968 = vector.shape_cast %broadcast_in_dim3A_967 : vector<16x1xi32> to vector<16xi32>
        %gather3A_969 = tpu.dynamic_gather %get3A_183[%gather3A_968] in [0] : vector<16xf32>, vector<16xi32> -> vector<16xf32>
        %mul3A_970 = arith.constant 50 : i32
        %mul3A_971 = arith.muli %scan3A_176, %mul3A_970 : i32
        %add3A_972 = arith.constant 24 : i32
        %add3A_973 = arith.addi %mul3A_971, %add3A_972 : i32
        %get3A_974 = arith.index_cast %add3A_973 : i32 to index
        %get3A_975 = arith.constant 0 : index
        %get3A_976 = tpu.vector_load %arg7[%get3A_974, %get3A_975] {strides = array<i32>} : memref<400x64xf32, #tpu.memory_space<vmem>>, vector<1x16xf32>,
        %get3A_977 = vector.shape_cast %get3A_976 : vector<1x16xf32> to vector<16xf32>
        %mul3A_978 = arith.mulf %gather3A_969, %get3A_977 : vector<16xf32>
        %add3A_979 = arith.addf %add3A_947, %mul3A_978 : vector<16xf32>
        %get3A_980 = arith.index_cast %add3A_973 : i32 to index
        %get3A_981 = arith.constant 16 : index
        %get3A_982 = tpu.vector_load %arg7[%get3A_980, %get3A_981] {strides = array<i32>} : memref<400x64xf32, #tpu.memory_space<vmem>>, vector<1x16xf32>,
        %get3A_983 = vector.shape_cast %get3A_982 : vector<1x16xf32> to vector<16xf32>
        %mul3A_984 = arith.mulf %gather3A_969, %get3A_983 : vector<16xf32>
        %add3A_985 = arith.addf %add3A_953, %mul3A_984 : vector<16xf32>
        %get3A_986 = arith.index_cast %add3A_973 : i32 to index
        %get3A_987 = arith.constant 32 : index
        %get3A_988 = tpu.vector_load %arg7[%get3A_986, %get3A_987] {strides = array<i32>} : memref<400x64xf32, #tpu.memory_space<vmem>>, vector<1x16xf32>,
        %get3A_989 = vector.shape_cast %get3A_988 : vector<1x16xf32> to vector<16xf32>
        %mul3A_990 = arith.mulf %gather3A_969, %get3A_989 : vector<16xf32>
        %add3A_991 = arith.addf %add3A_959, %mul3A_990 : vector<16xf32>
        %get3A_992 = arith.index_cast %add3A_973 : i32 to index
        %get3A_993 = arith.constant 48 : index
        %get3A_994 = tpu.vector_load %arg7[%get3A_992, %get3A_993] {strides = array<i32>} : memref<400x64xf32, #tpu.memory_space<vmem>>, vector<1x16xf32>,
        %get3A_995 = vector.shape_cast %get3A_994 : vector<1x16xf32> to vector<16xf32>
        %mul3A_996 = arith.mulf %gather3A_969, %get3A_995 : vector<16xf32>
        %add3A_997 = arith.addf %add3A_965, %mul3A_996 : vector<16xf32>
        %broadcast_in_dim3A_998 = arith.constant 9 : i32
        %broadcast_in_dim3A_999 = vector.broadcast %broadcast_in_dim3A_998 : i32 to vector<16x1xi32>
        %gather3A_1000 = vector.shape_cast %broadcast_in_dim3A_999 : vector<16x1xi32> to vector<16xi32>
        %gather3A_1001 = tpu.dynamic_gather %get3A_183[%gather3A_1000] in [0] : vector<16xf32>, vector<16xi32> -> vector<16xf32>
        %mul3A_1002 = arith.constant 50 : i32
        %mul3A_1003 = arith.muli %scan3A_176, %mul3A_1002 : i32
        %add3A_1004 = arith.constant 25 : i32
        %add3A_1005 = arith.addi %mul3A_1003, %add3A_1004 : i32
        %get3A_1006 = arith.index_cast %add3A_1005 : i32 to index
        %get3A_1007 = arith.constant 0 : index
        %get3A_1008 = tpu.vector_load %arg7[%get3A_1006, %get3A_1007] {strides = array<i32>} : memref<400x64xf32, #tpu.memory_space<vmem>>, vector<1x16xf32>,
        %get3A_1009 = vector.shape_cast %get3A_1008 : vector<1x16xf32> to vector<16xf32>
        %mul3A_1010 = arith.mulf %gather3A_1001, %get3A_1009 : vector<16xf32>
        %add3A_1011 = arith.addf %add3A_979, %mul3A_1010 : vector<16xf32>
        %get3A_1012 = arith.index_cast %add3A_1005 : i32 to index
        %get3A_1013 = arith.constant 16 : index
        %get3A_1014 = tpu.vector_load %arg7[%get3A_1012, %get3A_1013] {strides = array<i32>} : memref<400x64xf32, #tpu.memory_space<vmem>>, vector<1x16xf32>,
        %get3A_1015 = vector.shape_cast %get3A_1014 : vector<1x16xf32> to vector<16xf32>
        %mul3A_1016 = arith.mulf %gather3A_1001, %get3A_1015 : vector<16xf32>
        %add3A_1017 = arith.addf %add3A_985, %mul3A_1016 : vector<16xf32>
        %get3A_1018 = arith.index_cast %add3A_1005 : i32 to index
        %get3A_1019 = arith.constant 32 : index
        %get3A_1020 = tpu.vector_load %arg7[%get3A_1018, %get3A_1019] {strides = array<i32>} : memref<400x64xf32, #tpu.memory_space<vmem>>, vector<1x16xf32>,
        %get3A_1021 = vector.shape_cast %get3A_1020 : vector<1x16xf32> to vector<16xf32>
        %mul3A_1022 = arith.mulf %gather3A_1001, %get3A_1021 : vector<16xf32>
        %add3A_1023 = arith.addf %add3A_991, %mul3A_1022 : vector<16xf32>
        %get3A_1024 = arith.index_cast %add3A_1005 : i32 to index
        %get3A_1025 = arith.constant 48 : index
        %get3A_1026 = tpu.vector_load %arg7[%get3A_1024, %get3A_1025] {strides = array<i32>} : memref<400x64xf32, #tpu.memory_space<vmem>>, vector<1x16xf32>,
        %get3A_1027 = vector.shape_cast %get3A_1026 : vector<1x16xf32> to vector<16xf32>
        %mul3A_1028 = arith.mulf %gather3A_1001, %get3A_1027 : vector<16xf32>
        %add3A_1029 = arith.addf %add3A_997, %mul3A_1028 : vector<16xf32>
        %broadcast_in_dim3A_1030 = arith.constant 10 : i32
        %broadcast_in_dim3A_1031 = vector.broadcast %broadcast_in_dim3A_1030 : i32 to vector<16x1xi32>
        %gather3A_1032 = vector.shape_cast %broadcast_in_dim3A_1031 : vector<16x1xi32> to vector<16xi32>
        %gather3A_1033 = tpu.dynamic_gather %get3A_183[%gather3A_1032] in [0] : vector<16xf32>, vector<16xi32> -> vector<16xf32>
        %mul3A_1034 = arith.constant 50 : i32
        %mul3A_1035 = arith.muli %scan3A_176, %mul3A_1034 : i32
        %add3A_1036 = arith.constant 26 : i32
        %add3A_1037 = arith.addi %mul3A_1035, %add3A_1036 : i32
        %get3A_1038 = arith.index_cast %add3A_1037 : i32 to index
        %get3A_1039 = arith.constant 0 : index
        %get3A_1040 = tpu.vector_load %arg7[%get3A_1038, %get3A_1039] {strides = array<i32>} : memref<400x64xf32, #tpu.memory_space<vmem>>, vector<1x16xf32>,
        %get3A_1041 = vector.shape_cast %get3A_1040 : vector<1x16xf32> to vector<16xf32>
        %mul3A_1042 = arith.mulf %gather3A_1033, %get3A_1041 : vector<16xf32>
        %add3A_1043 = arith.addf %add3A_1011, %mul3A_1042 : vector<16xf32>
        %get3A_1044 = arith.index_cast %add3A_1037 : i32 to index
        %get3A_1045 = arith.constant 16 : index
        %get3A_1046 = tpu.vector_load %arg7[%get3A_1044, %get3A_1045] {strides = array<i32>} : memref<400x64xf32, #tpu.memory_space<vmem>>, vector<1x16xf32>,
        %get3A_1047 = vector.shape_cast %get3A_1046 : vector<1x16xf32> to vector<16xf32>
        %mul3A_1048 = arith.mulf %gather3A_1033, %get3A_1047 : vector<16xf32>
        %add3A_1049 = arith.addf %add3A_1017, %mul3A_1048 : vector<16xf32>
        %get3A_1050 = arith.index_cast %add3A_1037 : i32 to index
        %get3A_1051 = arith.constant 32 : index
        %get3A_1052 = tpu.vector_load %arg7[%get3A_1050, %get3A_1051] {strides = array<i32>} : memref<400x64xf32, #tpu.memory_space<vmem>>, vector<1x16xf32>,
        %get3A_1053 = vector.shape_cast %get3A_1052 : vector<1x16xf32> to vector<16xf32>
        %mul3A_1054 = arith.mulf %gather3A_1033, %get3A_1053 : vector<16xf32>
        %add3A_1055 = arith.addf %add3A_1023, %mul3A_1054 : vector<16xf32>
        %get3A_1056 = arith.index_cast %add3A_1037 : i32 to index
        %get3A_1057 = arith.constant 48 : index
        %get3A_1058 = tpu.vector_load %arg7[%get3A_1056, %get3A_1057] {strides = array<i32>} : memref<400x64xf32, #tpu.memory_space<vmem>>, vector<1x16xf32>,
        %get3A_1059 = vector.shape_cast %get3A_1058 : vector<1x16xf32> to vector<16xf32>
        %mul3A_1060 = arith.mulf %gather3A_1033, %get3A_1059 : vector<16xf32>
        %add3A_1061 = arith.addf %add3A_1029, %mul3A_1060 : vector<16xf32>
        %broadcast_in_dim3A_1062 = arith.constant 11 : i32
        %broadcast_in_dim3A_1063 = vector.broadcast %broadcast_in_dim3A_1062 : i32 to vector<16x1xi32>
        %gather3A_1064 = vector.shape_cast %broadcast_in_dim3A_1063 : vector<16x1xi32> to vector<16xi32>
        %gather3A_1065 = tpu.dynamic_gather %get3A_183[%gather3A_1064] in [0] : vector<16xf32>, vector<16xi32> -> vector<16xf32>
        %mul3A_1066 = arith.constant 50 : i32
        %mul3A_1067 = arith.muli %scan3A_176, %mul3A_1066 : i32
        %add3A_1068 = arith.constant 27 : i32
        %add3A_1069 = arith.addi %mul3A_1067, %add3A_1068 : i32
        %get3A_1070 = arith.index_cast %add3A_1069 : i32 to index
        %get3A_1071 = arith.constant 0 : index
        %get3A_1072 = tpu.vector_load %arg7[%get3A_1070, %get3A_1071] {strides = array<i32>} : memref<400x64xf32, #tpu.memory_space<vmem>>, vector<1x16xf32>,
        %get3A_1073 = vector.shape_cast %get3A_1072 : vector<1x16xf32> to vector<16xf32>
        %mul3A_1074 = arith.mulf %gather3A_1065, %get3A_1073 : vector<16xf32>
        %add3A_1075 = arith.addf %add3A_1043, %mul3A_1074 : vector<16xf32>
        %get3A_1076 = arith.index_cast %add3A_1069 : i32 to index
        %get3A_1077 = arith.constant 16 : index
        %get3A_1078 = tpu.vector_load %arg7[%get3A_1076, %get3A_1077] {strides = array<i32>} : memref<400x64xf32, #tpu.memory_space<vmem>>, vector<1x16xf32>,
        %get3A_1079 = vector.shape_cast %get3A_1078 : vector<1x16xf32> to vector<16xf32>
        %mul3A_1080 = arith.mulf %gather3A_1065, %get3A_1079 : vector<16xf32>
        %add3A_1081 = arith.addf %add3A_1049, %mul3A_1080 : vector<16xf32>
        %get3A_1082 = arith.index_cast %add3A_1069 : i32 to index
        %get3A_1083 = arith.constant 32 : index
        %get3A_1084 = tpu.vector_load %arg7[%get3A_1082, %get3A_1083] {strides = array<i32>} : memref<400x64xf32, #tpu.memory_space<vmem>>, vector<1x16xf32>,
        %get3A_1085 = vector.shape_cast %get3A_1084 : vector<1x16xf32> to vector<16xf32>
        %mul3A_1086 = arith.mulf %gather3A_1065, %get3A_1085 : vector<16xf32>
        %add3A_1087 = arith.addf %add3A_1055, %mul3A_1086 : vector<16xf32>
        %get3A_1088 = arith.index_cast %add3A_1069 : i32 to index
        %get3A_1089 = arith.constant 48 : index
        %get3A_1090 = tpu.vector_load %arg7[%get3A_1088, %get3A_1089] {strides = array<i32>} : memref<400x64xf32, #tpu.memory_space<vmem>>, vector<1x16xf32>,
        %get3A_1091 = vector.shape_cast %get3A_1090 : vector<1x16xf32> to vector<16xf32>
        %mul3A_1092 = arith.mulf %gather3A_1065, %get3A_1091 : vector<16xf32>
        %add3A_1093 = arith.addf %add3A_1061, %mul3A_1092 : vector<16xf32>
        %broadcast_in_dim3A_1094 = arith.constant 12 : i32
        %broadcast_in_dim3A_1095 = vector.broadcast %broadcast_in_dim3A_1094 : i32 to vector<16x1xi32>
        %gather3A_1096 = vector.shape_cast %broadcast_in_dim3A_1095 : vector<16x1xi32> to vector<16xi32>
        %gather3A_1097 = tpu.dynamic_gather %get3A_183[%gather3A_1096] in [0] : vector<16xf32>, vector<16xi32> -> vector<16xf32>
        %mul3A_1098 = arith.constant 50 : i32
        %mul3A_1099 = arith.muli %scan3A_176, %mul3A_1098 : i32
        %add3A_1100 = arith.constant 28 : i32
        %add3A_1101 = arith.addi %mul3A_1099, %add3A_1100 : i32
        %get3A_1102 = arith.index_cast %add3A_1101 : i32 to index
        %get3A_1103 = arith.constant 0 : index
        %get3A_1104 = tpu.vector_load %arg7[%get3A_1102, %get3A_1103] {strides = array<i32>} : memref<400x64xf32, #tpu.memory_space<vmem>>, vector<1x16xf32>,
        %get3A_1105 = vector.shape_cast %get3A_1104 : vector<1x16xf32> to vector<16xf32>
        %mul3A_1106 = arith.mulf %gather3A_1097, %get3A_1105 : vector<16xf32>
        %add3A_1107 = arith.addf %add3A_1075, %mul3A_1106 : vector<16xf32>
        %get3A_1108 = arith.index_cast %add3A_1101 : i32 to index
        %get3A_1109 = arith.constant 16 : index
        %get3A_1110 = tpu.vector_load %arg7[%get3A_1108, %get3A_1109] {strides = array<i32>} : memref<400x64xf32, #tpu.memory_space<vmem>>, vector<1x16xf32>,
        %get3A_1111 = vector.shape_cast %get3A_1110 : vector<1x16xf32> to vector<16xf32>
        %mul3A_1112 = arith.mulf %gather3A_1097, %get3A_1111 : vector<16xf32>
        %add3A_1113 = arith.addf %add3A_1081, %mul3A_1112 : vector<16xf32>
        %get3A_1114 = arith.index_cast %add3A_1101 : i32 to index
        %get3A_1115 = arith.constant 32 : index
        %get3A_1116 = tpu.vector_load %arg7[%get3A_1114, %get3A_1115] {strides = array<i32>} : memref<400x64xf32, #tpu.memory_space<vmem>>, vector<1x16xf32>,
        %get3A_1117 = vector.shape_cast %get3A_1116 : vector<1x16xf32> to vector<16xf32>
        %mul3A_1118 = arith.mulf %gather3A_1097, %get3A_1117 : vector<16xf32>
        %add3A_1119 = arith.addf %add3A_1087, %mul3A_1118 : vector<16xf32>
        %get3A_1120 = arith.index_cast %add3A_1101 : i32 to index
        %get3A_1121 = arith.constant 48 : index
        %get3A_1122 = tpu.vector_load %arg7[%get3A_1120, %get3A_1121] {strides = array<i32>} : memref<400x64xf32, #tpu.memory_space<vmem>>, vector<1x16xf32>,
        %get3A_1123 = vector.shape_cast %get3A_1122 : vector<1x16xf32> to vector<16xf32>
        %mul3A_1124 = arith.mulf %gather3A_1097, %get3A_1123 : vector<16xf32>
        %add3A_1125 = arith.addf %add3A_1093, %mul3A_1124 : vector<16xf32>
        %broadcast_in_dim3A_1126 = arith.constant 13 : i32
        %broadcast_in_dim3A_1127 = vector.broadcast %broadcast_in_dim3A_1126 : i32 to vector<16x1xi32>
        %gather3A_1128 = vector.shape_cast %broadcast_in_dim3A_1127 : vector<16x1xi32> to vector<16xi32>
        %gather3A_1129 = tpu.dynamic_gather %get3A_183[%gather3A_1128] in [0] : vector<16xf32>, vector<16xi32> -> vector<16xf32>
        %mul3A_1130 = arith.constant 50 : i32
        %mul3A_1131 = arith.muli %scan3A_176, %mul3A_1130 : i32
        %add3A_1132 = arith.constant 29 : i32
        %add3A_1133 = arith.addi %mul3A_1131, %add3A_1132 : i32
        %get3A_1134 = arith.index_cast %add3A_1133 : i32 to index
        %get3A_1135 = arith.constant 0 : index
        %get3A_1136 = tpu.vector_load %arg7[%get3A_1134, %get3A_1135] {strides = array<i32>} : memref<400x64xf32, #tpu.memory_space<vmem>>, vector<1x16xf32>,
        %get3A_1137 = vector.shape_cast %get3A_1136 : vector<1x16xf32> to vector<16xf32>
        %mul3A_1138 = arith.mulf %gather3A_1129, %get3A_1137 : vector<16xf32>
        %add3A_1139 = arith.addf %add3A_1107, %mul3A_1138 : vector<16xf32>
        %get3A_1140 = arith.index_cast %add3A_1133 : i32 to index
        %get3A_1141 = arith.constant 16 : index
        %get3A_1142 = tpu.vector_load %arg7[%get3A_1140, %get3A_1141] {strides = array<i32>} : memref<400x64xf32, #tpu.memory_space<vmem>>, vector<1x16xf32>,
        %get3A_1143 = vector.shape_cast %get3A_1142 : vector<1x16xf32> to vector<16xf32>
        %mul3A_1144 = arith.mulf %gather3A_1129, %get3A_1143 : vector<16xf32>
        %add3A_1145 = arith.addf %add3A_1113, %mul3A_1144 : vector<16xf32>
        %get3A_1146 = arith.index_cast %add3A_1133 : i32 to index
        %get3A_1147 = arith.constant 32 : index
        %get3A_1148 = tpu.vector_load %arg7[%get3A_1146, %get3A_1147] {strides = array<i32>} : memref<400x64xf32, #tpu.memory_space<vmem>>, vector<1x16xf32>,
        %get3A_1149 = vector.shape_cast %get3A_1148 : vector<1x16xf32> to vector<16xf32>
        %mul3A_1150 = arith.mulf %gather3A_1129, %get3A_1149 : vector<16xf32>
        %add3A_1151 = arith.addf %add3A_1119, %mul3A_1150 : vector<16xf32>
        %get3A_1152 = arith.index_cast %add3A_1133 : i32 to index
        %get3A_1153 = arith.constant 48 : index
        %get3A_1154 = tpu.vector_load %arg7[%get3A_1152, %get3A_1153] {strides = array<i32>} : memref<400x64xf32, #tpu.memory_space<vmem>>, vector<1x16xf32>,
        %get3A_1155 = vector.shape_cast %get3A_1154 : vector<1x16xf32> to vector<16xf32>
        %mul3A_1156 = arith.mulf %gather3A_1129, %get3A_1155 : vector<16xf32>
        %add3A_1157 = arith.addf %add3A_1125, %mul3A_1156 : vector<16xf32>
        %broadcast_in_dim3A_1158 = arith.constant 14 : i32
        %broadcast_in_dim3A_1159 = vector.broadcast %broadcast_in_dim3A_1158 : i32 to vector<16x1xi32>
        %gather3A_1160 = vector.shape_cast %broadcast_in_dim3A_1159 : vector<16x1xi32> to vector<16xi32>
        %gather3A_1161 = tpu.dynamic_gather %get3A_183[%gather3A_1160] in [0] : vector<16xf32>, vector<16xi32> -> vector<16xf32>
        %mul3A_1162 = arith.constant 50 : i32
        %mul3A_1163 = arith.muli %scan3A_176, %mul3A_1162 : i32
        %add3A_1164 = arith.constant 30 : i32
        %add3A_1165 = arith.addi %mul3A_1163, %add3A_1164 : i32
        %get3A_1166 = arith.index_cast %add3A_1165 : i32 to index
        %get3A_1167 = arith.constant 0 : index
        %get3A_1168 = tpu.vector_load %arg7[%get3A_1166, %get3A_1167] {strides = array<i32>} : memref<400x64xf32, #tpu.memory_space<vmem>>, vector<1x16xf32>,
        %get3A_1169 = vector.shape_cast %get3A_1168 : vector<1x16xf32> to vector<16xf32>
        %mul3A_1170 = arith.mulf %gather3A_1161, %get3A_1169 : vector<16xf32>
        %add3A_1171 = arith.addf %add3A_1139, %mul3A_1170 : vector<16xf32>
        %get3A_1172 = arith.index_cast %add3A_1165 : i32 to index
        %get3A_1173 = arith.constant 16 : index
        %get3A_1174 = tpu.vector_load %arg7[%get3A_1172, %get3A_1173] {strides = array<i32>} : memref<400x64xf32, #tpu.memory_space<vmem>>, vector<1x16xf32>,
        %get3A_1175 = vector.shape_cast %get3A_1174 : vector<1x16xf32> to vector<16xf32>
        %mul3A_1176 = arith.mulf %gather3A_1161, %get3A_1175 : vector<16xf32>
        %add3A_1177 = arith.addf %add3A_1145, %mul3A_1176 : vector<16xf32>
        %get3A_1178 = arith.index_cast %add3A_1165 : i32 to index
        %get3A_1179 = arith.constant 32 : index
        %get3A_1180 = tpu.vector_load %arg7[%get3A_1178, %get3A_1179] {strides = array<i32>} : memref<400x64xf32, #tpu.memory_space<vmem>>, vector<1x16xf32>,
        %get3A_1181 = vector.shape_cast %get3A_1180 : vector<1x16xf32> to vector<16xf32>
        %mul3A_1182 = arith.mulf %gather3A_1161, %get3A_1181 : vector<16xf32>
        %add3A_1183 = arith.addf %add3A_1151, %mul3A_1182 : vector<16xf32>
        %get3A_1184 = arith.index_cast %add3A_1165 : i32 to index
        %get3A_1185 = arith.constant 48 : index
        %get3A_1186 = tpu.vector_load %arg7[%get3A_1184, %get3A_1185] {strides = array<i32>} : memref<400x64xf32, #tpu.memory_space<vmem>>, vector<1x16xf32>,
        %get3A_1187 = vector.shape_cast %get3A_1186 : vector<1x16xf32> to vector<16xf32>
        %mul3A_1188 = arith.mulf %gather3A_1161, %get3A_1187 : vector<16xf32>
        %add3A_1189 = arith.addf %add3A_1157, %mul3A_1188 : vector<16xf32>
        %broadcast_in_dim3A_1190 = arith.constant 15 : i32
        %broadcast_in_dim3A_1191 = vector.broadcast %broadcast_in_dim3A_1190 : i32 to vector<16x1xi32>
        %gather3A_1192 = vector.shape_cast %broadcast_in_dim3A_1191 : vector<16x1xi32> to vector<16xi32>
        %gather3A_1193 = tpu.dynamic_gather %get3A_183[%gather3A_1192] in [0] : vector<16xf32>, vector<16xi32> -> vector<16xf32>
        %mul3A_1194 = arith.constant 50 : i32
        %mul3A_1195 = arith.muli %scan3A_176, %mul3A_1194 : i32
        %add3A_1196 = arith.constant 31 : i32
        %add3A_1197 = arith.addi %mul3A_1195, %add3A_1196 : i32
        %get3A_1198 = arith.index_cast %add3A_1197 : i32 to index
        %get3A_1199 = arith.constant 0 : index
        %get3A_1200 = tpu.vector_load %arg7[%get3A_1198, %get3A_1199] {strides = array<i32>} : memref<400x64xf32, #tpu.memory_space<vmem>>, vector<1x16xf32>,
        %get3A_1201 = vector.shape_cast %get3A_1200 : vector<1x16xf32> to vector<16xf32>
        %mul3A_1202 = arith.mulf %gather3A_1193, %get3A_1201 : vector<16xf32>
        %add3A_1203 = arith.addf %add3A_1171, %mul3A_1202 : vector<16xf32>
        %get3A_1204 = arith.index_cast %add3A_1197 : i32 to index
        %get3A_1205 = arith.constant 16 : index
        %get3A_1206 = tpu.vector_load %arg7[%get3A_1204, %get3A_1205] {strides = array<i32>} : memref<400x64xf32, #tpu.memory_space<vmem>>, vector<1x16xf32>,
        %get3A_1207 = vector.shape_cast %get3A_1206 : vector<1x16xf32> to vector<16xf32>
        %mul3A_1208 = arith.mulf %gather3A_1193, %get3A_1207 : vector<16xf32>
        %add3A_1209 = arith.addf %add3A_1177, %mul3A_1208 : vector<16xf32>
        %get3A_1210 = arith.index_cast %add3A_1197 : i32 to index
        %get3A_1211 = arith.constant 32 : index
        %get3A_1212 = tpu.vector_load %arg7[%get3A_1210, %get3A_1211] {strides = array<i32>} : memref<400x64xf32, #tpu.memory_space<vmem>>, vector<1x16xf32>,
        %get3A_1213 = vector.shape_cast %get3A_1212 : vector<1x16xf32> to vector<16xf32>
        %mul3A_1214 = arith.mulf %gather3A_1193, %get3A_1213 : vector<16xf32>
        %add3A_1215 = arith.addf %add3A_1183, %mul3A_1214 : vector<16xf32>
        %get3A_1216 = arith.index_cast %add3A_1197 : i32 to index
        %get3A_1217 = arith.constant 48 : index
        %get3A_1218 = tpu.vector_load %arg7[%get3A_1216, %get3A_1217] {strides = array<i32>} : memref<400x64xf32, #tpu.memory_space<vmem>>, vector<1x16xf32>,
        %get3A_1219 = vector.shape_cast %get3A_1218 : vector<1x16xf32> to vector<16xf32>
        %mul3A_1220 = arith.mulf %gather3A_1193, %get3A_1219 : vector<16xf32>
        %add3A_1221 = arith.addf %add3A_1189, %mul3A_1220 : vector<16xf32>
        %broadcast_in_dim3A_1222 = arith.constant 0 : i32
        %broadcast_in_dim3A_1223 = vector.broadcast %broadcast_in_dim3A_1222 : i32 to vector<16x1xi32>
        %gather3A_1224 = vector.shape_cast %broadcast_in_dim3A_1223 : vector<16x1xi32> to vector<16xi32>
        %gather3A_1225 = tpu.dynamic_gather %get3A_187[%gather3A_1224] in [0] : vector<16xf32>, vector<16xi32> -> vector<16xf32>
        %mul3A_1226 = arith.constant 50 : i32
        %mul3A_1227 = arith.muli %scan3A_176, %mul3A_1226 : i32
        %add3A_1228 = arith.constant 32 : i32
        %add3A_1229 = arith.addi %mul3A_1227, %add3A_1228 : i32
        %get3A_1230 = arith.index_cast %add3A_1229 : i32 to index
        %get3A_1231 = arith.constant 0 : index
        %get3A_1232 = tpu.vector_load %arg7[%get3A_1230, %get3A_1231] {strides = array<i32>} : memref<400x64xf32, #tpu.memory_space<vmem>>, vector<1x16xf32>,
        %get3A_1233 = vector.shape_cast %get3A_1232 : vector<1x16xf32> to vector<16xf32>
        %mul3A_1234 = arith.mulf %gather3A_1225, %get3A_1233 : vector<16xf32>
        %add3A_1235 = arith.addf %add3A_1203, %mul3A_1234 : vector<16xf32>
        %get3A_1236 = arith.index_cast %add3A_1229 : i32 to index
        %get3A_1237 = arith.constant 16 : index
        %get3A_1238 = tpu.vector_load %arg7[%get3A_1236, %get3A_1237] {strides = array<i32>} : memref<400x64xf32, #tpu.memory_space<vmem>>, vector<1x16xf32>,
        %get3A_1239 = vector.shape_cast %get3A_1238 : vector<1x16xf32> to vector<16xf32>
        %mul3A_1240 = arith.mulf %gather3A_1225, %get3A_1239 : vector<16xf32>
        %add3A_1241 = arith.addf %add3A_1209, %mul3A_1240 : vector<16xf32>
        %get3A_1242 = arith.index_cast %add3A_1229 : i32 to index
        %get3A_1243 = arith.constant 32 : index
        %get3A_1244 = tpu.vector_load %arg7[%get3A_1242, %get3A_1243] {strides = array<i32>} : memref<400x64xf32, #tpu.memory_space<vmem>>, vector<1x16xf32>,
        %get3A_1245 = vector.shape_cast %get3A_1244 : vector<1x16xf32> to vector<16xf32>
        %mul3A_1246 = arith.mulf %gather3A_1225, %get3A_1245 : vector<16xf32>
        %add3A_1247 = arith.addf %add3A_1215, %mul3A_1246 : vector<16xf32>
        %get3A_1248 = arith.index_cast %add3A_1229 : i32 to index
        %get3A_1249 = arith.constant 48 : index
        %get3A_1250 = tpu.vector_load %arg7[%get3A_1248, %get3A_1249] {strides = array<i32>} : memref<400x64xf32, #tpu.memory_space<vmem>>, vector<1x16xf32>,
        %get3A_1251 = vector.shape_cast %get3A_1250 : vector<1x16xf32> to vector<16xf32>
        %mul3A_1252 = arith.mulf %gather3A_1225, %get3A_1251 : vector<16xf32>
        %add3A_1253 = arith.addf %add3A_1221, %mul3A_1252 : vector<16xf32>
        %broadcast_in_dim3A_1254 = arith.constant 1 : i32
        %broadcast_in_dim3A_1255 = vector.broadcast %broadcast_in_dim3A_1254 : i32 to vector<16x1xi32>
        %gather3A_1256 = vector.shape_cast %broadcast_in_dim3A_1255 : vector<16x1xi32> to vector<16xi32>
        %gather3A_1257 = tpu.dynamic_gather %get3A_187[%gather3A_1256] in [0] : vector<16xf32>, vector<16xi32> -> vector<16xf32>
        %mul3A_1258 = arith.constant 50 : i32
        %mul3A_1259 = arith.muli %scan3A_176, %mul3A_1258 : i32
        %add3A_1260 = arith.constant 33 : i32
        %add3A_1261 = arith.addi %mul3A_1259, %add3A_1260 : i32
        %get3A_1262 = arith.index_cast %add3A_1261 : i32 to index
        %get3A_1263 = arith.constant 0 : index
        %get3A_1264 = tpu.vector_load %arg7[%get3A_1262, %get3A_1263] {strides = array<i32>} : memref<400x64xf32, #tpu.memory_space<vmem>>, vector<1x16xf32>,
        %get3A_1265 = vector.shape_cast %get3A_1264 : vector<1x16xf32> to vector<16xf32>
        %mul3A_1266 = arith.mulf %gather3A_1257, %get3A_1265 : vector<16xf32>
        %add3A_1267 = arith.addf %add3A_1235, %mul3A_1266 : vector<16xf32>
        %get3A_1268 = arith.index_cast %add3A_1261 : i32 to index
        %get3A_1269 = arith.constant 16 : index
        %get3A_1270 = tpu.vector_load %arg7[%get3A_1268, %get3A_1269] {strides = array<i32>} : memref<400x64xf32, #tpu.memory_space<vmem>>, vector<1x16xf32>,
        %get3A_1271 = vector.shape_cast %get3A_1270 : vector<1x16xf32> to vector<16xf32>
        %mul3A_1272 = arith.mulf %gather3A_1257, %get3A_1271 : vector<16xf32>
        %add3A_1273 = arith.addf %add3A_1241, %mul3A_1272 : vector<16xf32>
        %get3A_1274 = arith.index_cast %add3A_1261 : i32 to index
        %get3A_1275 = arith.constant 32 : index
        %get3A_1276 = tpu.vector_load %arg7[%get3A_1274, %get3A_1275] {strides = array<i32>} : memref<400x64xf32, #tpu.memory_space<vmem>>, vector<1x16xf32>,
        %get3A_1277 = vector.shape_cast %get3A_1276 : vector<1x16xf32> to vector<16xf32>
        %mul3A_1278 = arith.mulf %gather3A_1257, %get3A_1277 : vector<16xf32>
        %add3A_1279 = arith.addf %add3A_1247, %mul3A_1278 : vector<16xf32>
        %get3A_1280 = arith.index_cast %add3A_1261 : i32 to index
        %get3A_1281 = arith.constant 48 : index
        %get3A_1282 = tpu.vector_load %arg7[%get3A_1280, %get3A_1281] {strides = array<i32>} : memref<400x64xf32, #tpu.memory_space<vmem>>, vector<1x16xf32>,
        %get3A_1283 = vector.shape_cast %get3A_1282 : vector<1x16xf32> to vector<16xf32>
        %mul3A_1284 = arith.mulf %gather3A_1257, %get3A_1283 : vector<16xf32>
        %add3A_1285 = arith.addf %add3A_1253, %mul3A_1284 : vector<16xf32>
        %broadcast_in_dim3A_1286 = arith.constant 2 : i32
        %broadcast_in_dim3A_1287 = vector.broadcast %broadcast_in_dim3A_1286 : i32 to vector<16x1xi32>
        %gather3A_1288 = vector.shape_cast %broadcast_in_dim3A_1287 : vector<16x1xi32> to vector<16xi32>
        %gather3A_1289 = tpu.dynamic_gather %get3A_187[%gather3A_1288] in [0] : vector<16xf32>, vector<16xi32> -> vector<16xf32>
        %mul3A_1290 = arith.constant 50 : i32
        %mul3A_1291 = arith.muli %scan3A_176, %mul3A_1290 : i32
        %add3A_1292 = arith.constant 34 : i32
        %add3A_1293 = arith.addi %mul3A_1291, %add3A_1292 : i32
        %get3A_1294 = arith.index_cast %add3A_1293 : i32 to index
        %get3A_1295 = arith.constant 0 : index
        %get3A_1296 = tpu.vector_load %arg7[%get3A_1294, %get3A_1295] {strides = array<i32>} : memref<400x64xf32, #tpu.memory_space<vmem>>, vector<1x16xf32>,
        %get3A_1297 = vector.shape_cast %get3A_1296 : vector<1x16xf32> to vector<16xf32>
        %mul3A_1298 = arith.mulf %gather3A_1289, %get3A_1297 : vector<16xf32>
        %add3A_1299 = arith.addf %add3A_1267, %mul3A_1298 : vector<16xf32>
        %get3A_1300 = arith.index_cast %add3A_1293 : i32 to index
        %get3A_1301 = arith.constant 16 : index
        %get3A_1302 = tpu.vector_load %arg7[%get3A_1300, %get3A_1301] {strides = array<i32>} : memref<400x64xf32, #tpu.memory_space<vmem>>, vector<1x16xf32>,
        %get3A_1303 = vector.shape_cast %get3A_1302 : vector<1x16xf32> to vector<16xf32>
        %mul3A_1304 = arith.mulf %gather3A_1289, %get3A_1303 : vector<16xf32>
        %add3A_1305 = arith.addf %add3A_1273, %mul3A_1304 : vector<16xf32>
        %get3A_1306 = arith.index_cast %add3A_1293 : i32 to index
        %get3A_1307 = arith.constant 32 : index
        %get3A_1308 = tpu.vector_load %arg7[%get3A_1306, %get3A_1307] {strides = array<i32>} : memref<400x64xf32, #tpu.memory_space<vmem>>, vector<1x16xf32>,
        %get3A_1309 = vector.shape_cast %get3A_1308 : vector<1x16xf32> to vector<16xf32>
        %mul3A_1310 = arith.mulf %gather3A_1289, %get3A_1309 : vector<16xf32>
        %add3A_1311 = arith.addf %add3A_1279, %mul3A_1310 : vector<16xf32>
        %get3A_1312 = arith.index_cast %add3A_1293 : i32 to index
        %get3A_1313 = arith.constant 48 : index
        %get3A_1314 = tpu.vector_load %arg7[%get3A_1312, %get3A_1313] {strides = array<i32>} : memref<400x64xf32, #tpu.memory_space<vmem>>, vector<1x16xf32>,
        %get3A_1315 = vector.shape_cast %get3A_1314 : vector<1x16xf32> to vector<16xf32>
        %mul3A_1316 = arith.mulf %gather3A_1289, %get3A_1315 : vector<16xf32>
        %add3A_1317 = arith.addf %add3A_1285, %mul3A_1316 : vector<16xf32>
        %broadcast_in_dim3A_1318 = arith.constant 3 : i32
        %broadcast_in_dim3A_1319 = vector.broadcast %broadcast_in_dim3A_1318 : i32 to vector<16x1xi32>
        %gather3A_1320 = vector.shape_cast %broadcast_in_dim3A_1319 : vector<16x1xi32> to vector<16xi32>
        %gather3A_1321 = tpu.dynamic_gather %get3A_187[%gather3A_1320] in [0] : vector<16xf32>, vector<16xi32> -> vector<16xf32>
        %mul3A_1322 = arith.constant 50 : i32
        %mul3A_1323 = arith.muli %scan3A_176, %mul3A_1322 : i32
        %add3A_1324 = arith.constant 35 : i32
        %add3A_1325 = arith.addi %mul3A_1323, %add3A_1324 : i32
        %get3A_1326 = arith.index_cast %add3A_1325 : i32 to index
        %get3A_1327 = arith.constant 0 : index
        %get3A_1328 = tpu.vector_load %arg7[%get3A_1326, %get3A_1327] {strides = array<i32>} : memref<400x64xf32, #tpu.memory_space<vmem>>, vector<1x16xf32>,
        %get3A_1329 = vector.shape_cast %get3A_1328 : vector<1x16xf32> to vector<16xf32>
        %mul3A_1330 = arith.mulf %gather3A_1321, %get3A_1329 : vector<16xf32>
        %add3A_1331 = arith.addf %add3A_1299, %mul3A_1330 : vector<16xf32>
        %get3A_1332 = arith.index_cast %add3A_1325 : i32 to index
        %get3A_1333 = arith.constant 16 : index
        %get3A_1334 = tpu.vector_load %arg7[%get3A_1332, %get3A_1333] {strides = array<i32>} : memref<400x64xf32, #tpu.memory_space<vmem>>, vector<1x16xf32>,
        %get3A_1335 = vector.shape_cast %get3A_1334 : vector<1x16xf32> to vector<16xf32>
        %mul3A_1336 = arith.mulf %gather3A_1321, %get3A_1335 : vector<16xf32>
        %add3A_1337 = arith.addf %add3A_1305, %mul3A_1336 : vector<16xf32>
        %get3A_1338 = arith.index_cast %add3A_1325 : i32 to index
        %get3A_1339 = arith.constant 32 : index
        %get3A_1340 = tpu.vector_load %arg7[%get3A_1338, %get3A_1339] {strides = array<i32>} : memref<400x64xf32, #tpu.memory_space<vmem>>, vector<1x16xf32>,
        %get3A_1341 = vector.shape_cast %get3A_1340 : vector<1x16xf32> to vector<16xf32>
        %mul3A_1342 = arith.mulf %gather3A_1321, %get3A_1341 : vector<16xf32>
        %add3A_1343 = arith.addf %add3A_1311, %mul3A_1342 : vector<16xf32>
        %get3A_1344 = arith.index_cast %add3A_1325 : i32 to index
        %get3A_1345 = arith.constant 48 : index
        %get3A_1346 = tpu.vector_load %arg7[%get3A_1344, %get3A_1345] {strides = array<i32>} : memref<400x64xf32, #tpu.memory_space<vmem>>, vector<1x16xf32>,
        %get3A_1347 = vector.shape_cast %get3A_1346 : vector<1x16xf32> to vector<16xf32>
        %mul3A_1348 = arith.mulf %gather3A_1321, %get3A_1347 : vector<16xf32>
        %add3A_1349 = arith.addf %add3A_1317, %mul3A_1348 : vector<16xf32>
        %broadcast_in_dim3A_1350 = arith.constant 4 : i32
        %broadcast_in_dim3A_1351 = vector.broadcast %broadcast_in_dim3A_1350 : i32 to vector<16x1xi32>
        %gather3A_1352 = vector.shape_cast %broadcast_in_dim3A_1351 : vector<16x1xi32> to vector<16xi32>
        %gather3A_1353 = tpu.dynamic_gather %get3A_187[%gather3A_1352] in [0] : vector<16xf32>, vector<16xi32> -> vector<16xf32>
        %mul3A_1354 = arith.constant 50 : i32
        %mul3A_1355 = arith.muli %scan3A_176, %mul3A_1354 : i32
        %add3A_1356 = arith.constant 36 : i32
        %add3A_1357 = arith.addi %mul3A_1355, %add3A_1356 : i32
        %get3A_1358 = arith.index_cast %add3A_1357 : i32 to index
        %get3A_1359 = arith.constant 0 : index
        %get3A_1360 = tpu.vector_load %arg7[%get3A_1358, %get3A_1359] {strides = array<i32>} : memref<400x64xf32, #tpu.memory_space<vmem>>, vector<1x16xf32>,
        %get3A_1361 = vector.shape_cast %get3A_1360 : vector<1x16xf32> to vector<16xf32>
        %mul3A_1362 = arith.mulf %gather3A_1353, %get3A_1361 : vector<16xf32>
        %add3A_1363 = arith.addf %add3A_1331, %mul3A_1362 : vector<16xf32>
        %get3A_1364 = arith.index_cast %add3A_1357 : i32 to index
        %get3A_1365 = arith.constant 16 : index
        %get3A_1366 = tpu.vector_load %arg7[%get3A_1364, %get3A_1365] {strides = array<i32>} : memref<400x64xf32, #tpu.memory_space<vmem>>, vector<1x16xf32>,
        %get3A_1367 = vector.shape_cast %get3A_1366 : vector<1x16xf32> to vector<16xf32>
        %mul3A_1368 = arith.mulf %gather3A_1353, %get3A_1367 : vector<16xf32>
        %add3A_1369 = arith.addf %add3A_1337, %mul3A_1368 : vector<16xf32>
        %get3A_1370 = arith.index_cast %add3A_1357 : i32 to index
        %get3A_1371 = arith.constant 32 : index
        %get3A_1372 = tpu.vector_load %arg7[%get3A_1370, %get3A_1371] {strides = array<i32>} : memref<400x64xf32, #tpu.memory_space<vmem>>, vector<1x16xf32>,
        %get3A_1373 = vector.shape_cast %get3A_1372 : vector<1x16xf32> to vector<16xf32>
        %mul3A_1374 = arith.mulf %gather3A_1353, %get3A_1373 : vector<16xf32>
        %add3A_1375 = arith.addf %add3A_1343, %mul3A_1374 : vector<16xf32>
        %get3A_1376 = arith.index_cast %add3A_1357 : i32 to index
        %get3A_1377 = arith.constant 48 : index
        %get3A_1378 = tpu.vector_load %arg7[%get3A_1376, %get3A_1377] {strides = array<i32>} : memref<400x64xf32, #tpu.memory_space<vmem>>, vector<1x16xf32>,
        %get3A_1379 = vector.shape_cast %get3A_1378 : vector<1x16xf32> to vector<16xf32>
        %mul3A_1380 = arith.mulf %gather3A_1353, %get3A_1379 : vector<16xf32>
        %add3A_1381 = arith.addf %add3A_1349, %mul3A_1380 : vector<16xf32>
        %broadcast_in_dim3A_1382 = arith.constant 5 : i32
        %broadcast_in_dim3A_1383 = vector.broadcast %broadcast_in_dim3A_1382 : i32 to vector<16x1xi32>
        %gather3A_1384 = vector.shape_cast %broadcast_in_dim3A_1383 : vector<16x1xi32> to vector<16xi32>
        %gather3A_1385 = tpu.dynamic_gather %get3A_187[%gather3A_1384] in [0] : vector<16xf32>, vector<16xi32> -> vector<16xf32>
        %mul3A_1386 = arith.constant 50 : i32
        %mul3A_1387 = arith.muli %scan3A_176, %mul3A_1386 : i32
        %add3A_1388 = arith.constant 37 : i32
        %add3A_1389 = arith.addi %mul3A_1387, %add3A_1388 : i32
        %get3A_1390 = arith.index_cast %add3A_1389 : i32 to index
        %get3A_1391 = arith.constant 0 : index
        %get3A_1392 = tpu.vector_load %arg7[%get3A_1390, %get3A_1391] {strides = array<i32>} : memref<400x64xf32, #tpu.memory_space<vmem>>, vector<1x16xf32>,
        %get3A_1393 = vector.shape_cast %get3A_1392 : vector<1x16xf32> to vector<16xf32>
        %mul3A_1394 = arith.mulf %gather3A_1385, %get3A_1393 : vector<16xf32>
        %add3A_1395 = arith.addf %add3A_1363, %mul3A_1394 : vector<16xf32>
        %get3A_1396 = arith.index_cast %add3A_1389 : i32 to index
        %get3A_1397 = arith.constant 16 : index
        %get3A_1398 = tpu.vector_load %arg7[%get3A_1396, %get3A_1397] {strides = array<i32>} : memref<400x64xf32, #tpu.memory_space<vmem>>, vector<1x16xf32>,
        %get3A_1399 = vector.shape_cast %get3A_1398 : vector<1x16xf32> to vector<16xf32>
        %mul3A_1400 = arith.mulf %gather3A_1385, %get3A_1399 : vector<16xf32>
        %add3A_1401 = arith.addf %add3A_1369, %mul3A_1400 : vector<16xf32>
        %get3A_1402 = arith.index_cast %add3A_1389 : i32 to index
        %get3A_1403 = arith.constant 32 : index
        %get3A_1404 = tpu.vector_load %arg7[%get3A_1402, %get3A_1403] {strides = array<i32>} : memref<400x64xf32, #tpu.memory_space<vmem>>, vector<1x16xf32>,
        %get3A_1405 = vector.shape_cast %get3A_1404 : vector<1x16xf32> to vector<16xf32>
        %mul3A_1406 = arith.mulf %gather3A_1385, %get3A_1405 : vector<16xf32>
        %add3A_1407 = arith.addf %add3A_1375, %mul3A_1406 : vector<16xf32>
        %get3A_1408 = arith.index_cast %add3A_1389 : i32 to index
        %get3A_1409 = arith.constant 48 : index
        %get3A_1410 = tpu.vector_load %arg7[%get3A_1408, %get3A_1409] {strides = array<i32>} : memref<400x64xf32, #tpu.memory_space<vmem>>, vector<1x16xf32>,
        %get3A_1411 = vector.shape_cast %get3A_1410 : vector<1x16xf32> to vector<16xf32>
        %mul3A_1412 = arith.mulf %gather3A_1385, %get3A_1411 : vector<16xf32>
        %add3A_1413 = arith.addf %add3A_1381, %mul3A_1412 : vector<16xf32>
        %broadcast_in_dim3A_1414 = arith.constant 6 : i32
        %broadcast_in_dim3A_1415 = vector.broadcast %broadcast_in_dim3A_1414 : i32 to vector<16x1xi32>
        %gather3A_1416 = vector.shape_cast %broadcast_in_dim3A_1415 : vector<16x1xi32> to vector<16xi32>
        %gather3A_1417 = tpu.dynamic_gather %get3A_187[%gather3A_1416] in [0] : vector<16xf32>, vector<16xi32> -> vector<16xf32>
        %mul3A_1418 = arith.constant 50 : i32
        %mul3A_1419 = arith.muli %scan3A_176, %mul3A_1418 : i32
        %add3A_1420 = arith.constant 38 : i32
        %add3A_1421 = arith.addi %mul3A_1419, %add3A_1420 : i32
        %get3A_1422 = arith.index_cast %add3A_1421 : i32 to index
        %get3A_1423 = arith.constant 0 : index
        %get3A_1424 = tpu.vector_load %arg7[%get3A_1422, %get3A_1423] {strides = array<i32>} : memref<400x64xf32, #tpu.memory_space<vmem>>, vector<1x16xf32>,
        %get3A_1425 = vector.shape_cast %get3A_1424 : vector<1x16xf32> to vector<16xf32>
        %mul3A_1426 = arith.mulf %gather3A_1417, %get3A_1425 : vector<16xf32>
        %add3A_1427 = arith.addf %add3A_1395, %mul3A_1426 : vector<16xf32>
        %get3A_1428 = arith.index_cast %add3A_1421 : i32 to index
        %get3A_1429 = arith.constant 16 : index
        %get3A_1430 = tpu.vector_load %arg7[%get3A_1428, %get3A_1429] {strides = array<i32>} : memref<400x64xf32, #tpu.memory_space<vmem>>, vector<1x16xf32>,
        %get3A_1431 = vector.shape_cast %get3A_1430 : vector<1x16xf32> to vector<16xf32>
        %mul3A_1432 = arith.mulf %gather3A_1417, %get3A_1431 : vector<16xf32>
        %add3A_1433 = arith.addf %add3A_1401, %mul3A_1432 : vector<16xf32>
        %get3A_1434 = arith.index_cast %add3A_1421 : i32 to index
        %get3A_1435 = arith.constant 32 : index
        %get3A_1436 = tpu.vector_load %arg7[%get3A_1434, %get3A_1435] {strides = array<i32>} : memref<400x64xf32, #tpu.memory_space<vmem>>, vector<1x16xf32>,
        %get3A_1437 = vector.shape_cast %get3A_1436 : vector<1x16xf32> to vector<16xf32>
        %mul3A_1438 = arith.mulf %gather3A_1417, %get3A_1437 : vector<16xf32>
        %add3A_1439 = arith.addf %add3A_1407, %mul3A_1438 : vector<16xf32>
        %get3A_1440 = arith.index_cast %add3A_1421 : i32 to index
        %get3A_1441 = arith.constant 48 : index
        %get3A_1442 = tpu.vector_load %arg7[%get3A_1440, %get3A_1441] {strides = array<i32>} : memref<400x64xf32, #tpu.memory_space<vmem>>, vector<1x16xf32>,
        %get3A_1443 = vector.shape_cast %get3A_1442 : vector<1x16xf32> to vector<16xf32>
        %mul3A_1444 = arith.mulf %gather3A_1417, %get3A_1443 : vector<16xf32>
        %add3A_1445 = arith.addf %add3A_1413, %mul3A_1444 : vector<16xf32>
        %broadcast_in_dim3A_1446 = arith.constant 7 : i32
        %broadcast_in_dim3A_1447 = vector.broadcast %broadcast_in_dim3A_1446 : i32 to vector<16x1xi32>
        %gather3A_1448 = vector.shape_cast %broadcast_in_dim3A_1447 : vector<16x1xi32> to vector<16xi32>
        %gather3A_1449 = tpu.dynamic_gather %get3A_187[%gather3A_1448] in [0] : vector<16xf32>, vector<16xi32> -> vector<16xf32>
        %mul3A_1450 = arith.constant 50 : i32
        %mul3A_1451 = arith.muli %scan3A_176, %mul3A_1450 : i32
        %add3A_1452 = arith.constant 39 : i32
        %add3A_1453 = arith.addi %mul3A_1451, %add3A_1452 : i32
        %get3A_1454 = arith.index_cast %add3A_1453 : i32 to index
        %get3A_1455 = arith.constant 0 : index
        %get3A_1456 = tpu.vector_load %arg7[%get3A_1454, %get3A_1455] {strides = array<i32>} : memref<400x64xf32, #tpu.memory_space<vmem>>, vector<1x16xf32>,
        %get3A_1457 = vector.shape_cast %get3A_1456 : vector<1x16xf32> to vector<16xf32>
        %mul3A_1458 = arith.mulf %gather3A_1449, %get3A_1457 : vector<16xf32>
        %add3A_1459 = arith.addf %add3A_1427, %mul3A_1458 : vector<16xf32>
        %get3A_1460 = arith.index_cast %add3A_1453 : i32 to index
        %get3A_1461 = arith.constant 16 : index
        %get3A_1462 = tpu.vector_load %arg7[%get3A_1460, %get3A_1461] {strides = array<i32>} : memref<400x64xf32, #tpu.memory_space<vmem>>, vector<1x16xf32>,
        %get3A_1463 = vector.shape_cast %get3A_1462 : vector<1x16xf32> to vector<16xf32>
        %mul3A_1464 = arith.mulf %gather3A_1449, %get3A_1463 : vector<16xf32>
        %add3A_1465 = arith.addf %add3A_1433, %mul3A_1464 : vector<16xf32>
        %get3A_1466 = arith.index_cast %add3A_1453 : i32 to index
        %get3A_1467 = arith.constant 32 : index
        %get3A_1468 = tpu.vector_load %arg7[%get3A_1466, %get3A_1467] {strides = array<i32>} : memref<400x64xf32, #tpu.memory_space<vmem>>, vector<1x16xf32>,
        %get3A_1469 = vector.shape_cast %get3A_1468 : vector<1x16xf32> to vector<16xf32>
        %mul3A_1470 = arith.mulf %gather3A_1449, %get3A_1469 : vector<16xf32>
        %add3A_1471 = arith.addf %add3A_1439, %mul3A_1470 : vector<16xf32>
        %get3A_1472 = arith.index_cast %add3A_1453 : i32 to index
        %get3A_1473 = arith.constant 48 : index
        %get3A_1474 = tpu.vector_load %arg7[%get3A_1472, %get3A_1473] {strides = array<i32>} : memref<400x64xf32, #tpu.memory_space<vmem>>, vector<1x16xf32>,
        %get3A_1475 = vector.shape_cast %get3A_1474 : vector<1x16xf32> to vector<16xf32>
        %mul3A_1476 = arith.mulf %gather3A_1449, %get3A_1475 : vector<16xf32>
        %add3A_1477 = arith.addf %add3A_1445, %mul3A_1476 : vector<16xf32>
        %broadcast_in_dim3A_1478 = arith.constant 8 : i32
        %broadcast_in_dim3A_1479 = vector.broadcast %broadcast_in_dim3A_1478 : i32 to vector<16x1xi32>
        %gather3A_1480 = vector.shape_cast %broadcast_in_dim3A_1479 : vector<16x1xi32> to vector<16xi32>
        %gather3A_1481 = tpu.dynamic_gather %get3A_187[%gather3A_1480] in [0] : vector<16xf32>, vector<16xi32> -> vector<16xf32>
        %mul3A_1482 = arith.constant 50 : i32
        %mul3A_1483 = arith.muli %scan3A_176, %mul3A_1482 : i32
        %add3A_1484 = arith.constant 40 : i32
        %add3A_1485 = arith.addi %mul3A_1483, %add3A_1484 : i32
        %get3A_1486 = arith.index_cast %add3A_1485 : i32 to index
        %get3A_1487 = arith.constant 0 : index
        %get3A_1488 = tpu.vector_load %arg7[%get3A_1486, %get3A_1487] {strides = array<i32>} : memref<400x64xf32, #tpu.memory_space<vmem>>, vector<1x16xf32>,
        %get3A_1489 = vector.shape_cast %get3A_1488 : vector<1x16xf32> to vector<16xf32>
        %mul3A_1490 = arith.mulf %gather3A_1481, %get3A_1489 : vector<16xf32>
        %add3A_1491 = arith.addf %add3A_1459, %mul3A_1490 : vector<16xf32>
        %get3A_1492 = arith.index_cast %add3A_1485 : i32 to index
        %get3A_1493 = arith.constant 16 : index
        %get3A_1494 = tpu.vector_load %arg7[%get3A_1492, %get3A_1493] {strides = array<i32>} : memref<400x64xf32, #tpu.memory_space<vmem>>, vector<1x16xf32>,
        %get3A_1495 = vector.shape_cast %get3A_1494 : vector<1x16xf32> to vector<16xf32>
        %mul3A_1496 = arith.mulf %gather3A_1481, %get3A_1495 : vector<16xf32>
        %add3A_1497 = arith.addf %add3A_1465, %mul3A_1496 : vector<16xf32>
        %get3A_1498 = arith.index_cast %add3A_1485 : i32 to index
        %get3A_1499 = arith.constant 32 : index
        %get3A_1500 = tpu.vector_load %arg7[%get3A_1498, %get3A_1499] {strides = array<i32>} : memref<400x64xf32, #tpu.memory_space<vmem>>, vector<1x16xf32>,
        %get3A_1501 = vector.shape_cast %get3A_1500 : vector<1x16xf32> to vector<16xf32>
        %mul3A_1502 = arith.mulf %gather3A_1481, %get3A_1501 : vector<16xf32>
        %add3A_1503 = arith.addf %add3A_1471, %mul3A_1502 : vector<16xf32>
        %get3A_1504 = arith.index_cast %add3A_1485 : i32 to index
        %get3A_1505 = arith.constant 48 : index
        %get3A_1506 = tpu.vector_load %arg7[%get3A_1504, %get3A_1505] {strides = array<i32>} : memref<400x64xf32, #tpu.memory_space<vmem>>, vector<1x16xf32>,
        %get3A_1507 = vector.shape_cast %get3A_1506 : vector<1x16xf32> to vector<16xf32>
        %mul3A_1508 = arith.mulf %gather3A_1481, %get3A_1507 : vector<16xf32>
        %add3A_1509 = arith.addf %add3A_1477, %mul3A_1508 : vector<16xf32>
        %broadcast_in_dim3A_1510 = arith.constant 9 : i32
        %broadcast_in_dim3A_1511 = vector.broadcast %broadcast_in_dim3A_1510 : i32 to vector<16x1xi32>
        %gather3A_1512 = vector.shape_cast %broadcast_in_dim3A_1511 : vector<16x1xi32> to vector<16xi32>
        %gather3A_1513 = tpu.dynamic_gather %get3A_187[%gather3A_1512] in [0] : vector<16xf32>, vector<16xi32> -> vector<16xf32>
        %mul3A_1514 = arith.constant 50 : i32
        %mul3A_1515 = arith.muli %scan3A_176, %mul3A_1514 : i32
        %add3A_1516 = arith.constant 41 : i32
        %add3A_1517 = arith.addi %mul3A_1515, %add3A_1516 : i32
        %get3A_1518 = arith.index_cast %add3A_1517 : i32 to index
        %get3A_1519 = arith.constant 0 : index
        %get3A_1520 = tpu.vector_load %arg7[%get3A_1518, %get3A_1519] {strides = array<i32>} : memref<400x64xf32, #tpu.memory_space<vmem>>, vector<1x16xf32>,
        %get3A_1521 = vector.shape_cast %get3A_1520 : vector<1x16xf32> to vector<16xf32>
        %mul3A_1522 = arith.mulf %gather3A_1513, %get3A_1521 : vector<16xf32>
        %add3A_1523 = arith.addf %add3A_1491, %mul3A_1522 : vector<16xf32>
        %get3A_1524 = arith.index_cast %add3A_1517 : i32 to index
        %get3A_1525 = arith.constant 16 : index
        %get3A_1526 = tpu.vector_load %arg7[%get3A_1524, %get3A_1525] {strides = array<i32>} : memref<400x64xf32, #tpu.memory_space<vmem>>, vector<1x16xf32>,
        %get3A_1527 = vector.shape_cast %get3A_1526 : vector<1x16xf32> to vector<16xf32>
        %mul3A_1528 = arith.mulf %gather3A_1513, %get3A_1527 : vector<16xf32>
        %add3A_1529 = arith.addf %add3A_1497, %mul3A_1528 : vector<16xf32>
        %get3A_1530 = arith.index_cast %add3A_1517 : i32 to index
        %get3A_1531 = arith.constant 32 : index
        %get3A_1532 = tpu.vector_load %arg7[%get3A_1530, %get3A_1531] {strides = array<i32>} : memref<400x64xf32, #tpu.memory_space<vmem>>, vector<1x16xf32>,
        %get3A_1533 = vector.shape_cast %get3A_1532 : vector<1x16xf32> to vector<16xf32>
        %mul3A_1534 = arith.mulf %gather3A_1513, %get3A_1533 : vector<16xf32>
        %add3A_1535 = arith.addf %add3A_1503, %mul3A_1534 : vector<16xf32>
        %get3A_1536 = arith.index_cast %add3A_1517 : i32 to index
        %get3A_1537 = arith.constant 48 : index
        %get3A_1538 = tpu.vector_load %arg7[%get3A_1536, %get3A_1537] {strides = array<i32>} : memref<400x64xf32, #tpu.memory_space<vmem>>, vector<1x16xf32>,
        %get3A_1539 = vector.shape_cast %get3A_1538 : vector<1x16xf32> to vector<16xf32>
        %mul3A_1540 = arith.mulf %gather3A_1513, %get3A_1539 : vector<16xf32>
        %add3A_1541 = arith.addf %add3A_1509, %mul3A_1540 : vector<16xf32>
        %broadcast_in_dim3A_1542 = arith.constant 10 : i32
        %broadcast_in_dim3A_1543 = vector.broadcast %broadcast_in_dim3A_1542 : i32 to vector<16x1xi32>
        %gather3A_1544 = vector.shape_cast %broadcast_in_dim3A_1543 : vector<16x1xi32> to vector<16xi32>
        %gather3A_1545 = tpu.dynamic_gather %get3A_187[%gather3A_1544] in [0] : vector<16xf32>, vector<16xi32> -> vector<16xf32>
        %mul3A_1546 = arith.constant 50 : i32
        %mul3A_1547 = arith.muli %scan3A_176, %mul3A_1546 : i32
        %add3A_1548 = arith.constant 42 : i32
        %add3A_1549 = arith.addi %mul3A_1547, %add3A_1548 : i32
        %get3A_1550 = arith.index_cast %add3A_1549 : i32 to index
        %get3A_1551 = arith.constant 0 : index
        %get3A_1552 = tpu.vector_load %arg7[%get3A_1550, %get3A_1551] {strides = array<i32>} : memref<400x64xf32, #tpu.memory_space<vmem>>, vector<1x16xf32>,
        %get3A_1553 = vector.shape_cast %get3A_1552 : vector<1x16xf32> to vector<16xf32>
        %mul3A_1554 = arith.mulf %gather3A_1545, %get3A_1553 : vector<16xf32>
        %add3A_1555 = arith.addf %add3A_1523, %mul3A_1554 : vector<16xf32>
        %get3A_1556 = arith.index_cast %add3A_1549 : i32 to index
        %get3A_1557 = arith.constant 16 : index
        %get3A_1558 = tpu.vector_load %arg7[%get3A_1556, %get3A_1557] {strides = array<i32>} : memref<400x64xf32, #tpu.memory_space<vmem>>, vector<1x16xf32>,
        %get3A_1559 = vector.shape_cast %get3A_1558 : vector<1x16xf32> to vector<16xf32>
        %mul3A_1560 = arith.mulf %gather3A_1545, %get3A_1559 : vector<16xf32>
        %add3A_1561 = arith.addf %add3A_1529, %mul3A_1560 : vector<16xf32>
        %get3A_1562 = arith.index_cast %add3A_1549 : i32 to index
        %get3A_1563 = arith.constant 32 : index
        %get3A_1564 = tpu.vector_load %arg7[%get3A_1562, %get3A_1563] {strides = array<i32>} : memref<400x64xf32, #tpu.memory_space<vmem>>, vector<1x16xf32>,
        %get3A_1565 = vector.shape_cast %get3A_1564 : vector<1x16xf32> to vector<16xf32>
        %mul3A_1566 = arith.mulf %gather3A_1545, %get3A_1565 : vector<16xf32>
        %add3A_1567 = arith.addf %add3A_1535, %mul3A_1566 : vector<16xf32>
        %get3A_1568 = arith.index_cast %add3A_1549 : i32 to index
        %get3A_1569 = arith.constant 48 : index
        %get3A_1570 = tpu.vector_load %arg7[%get3A_1568, %get3A_1569] {strides = array<i32>} : memref<400x64xf32, #tpu.memory_space<vmem>>, vector<1x16xf32>,
        %get3A_1571 = vector.shape_cast %get3A_1570 : vector<1x16xf32> to vector<16xf32>
        %mul3A_1572 = arith.mulf %gather3A_1545, %get3A_1571 : vector<16xf32>
        %add3A_1573 = arith.addf %add3A_1541, %mul3A_1572 : vector<16xf32>
        %broadcast_in_dim3A_1574 = arith.constant 11 : i32
        %broadcast_in_dim3A_1575 = vector.broadcast %broadcast_in_dim3A_1574 : i32 to vector<16x1xi32>
        %gather3A_1576 = vector.shape_cast %broadcast_in_dim3A_1575 : vector<16x1xi32> to vector<16xi32>
        %gather3A_1577 = tpu.dynamic_gather %get3A_187[%gather3A_1576] in [0] : vector<16xf32>, vector<16xi32> -> vector<16xf32>
        %mul3A_1578 = arith.constant 50 : i32
        %mul3A_1579 = arith.muli %scan3A_176, %mul3A_1578 : i32
        %add3A_1580 = arith.constant 43 : i32
        %add3A_1581 = arith.addi %mul3A_1579, %add3A_1580 : i32
        %get3A_1582 = arith.index_cast %add3A_1581 : i32 to index
        %get3A_1583 = arith.constant 0 : index
        %get3A_1584 = tpu.vector_load %arg7[%get3A_1582, %get3A_1583] {strides = array<i32>} : memref<400x64xf32, #tpu.memory_space<vmem>>, vector<1x16xf32>,
        %get3A_1585 = vector.shape_cast %get3A_1584 : vector<1x16xf32> to vector<16xf32>
        %mul3A_1586 = arith.mulf %gather3A_1577, %get3A_1585 : vector<16xf32>
        %add3A_1587 = arith.addf %add3A_1555, %mul3A_1586 : vector<16xf32>
        %get3A_1588 = arith.index_cast %add3A_1581 : i32 to index
        %get3A_1589 = arith.constant 16 : index
        %get3A_1590 = tpu.vector_load %arg7[%get3A_1588, %get3A_1589] {strides = array<i32>} : memref<400x64xf32, #tpu.memory_space<vmem>>, vector<1x16xf32>,
        %get3A_1591 = vector.shape_cast %get3A_1590 : vector<1x16xf32> to vector<16xf32>
        %mul3A_1592 = arith.mulf %gather3A_1577, %get3A_1591 : vector<16xf32>
        %add3A_1593 = arith.addf %add3A_1561, %mul3A_1592 : vector<16xf32>
        %get3A_1594 = arith.index_cast %add3A_1581 : i32 to index
        %get3A_1595 = arith.constant 32 : index
        %get3A_1596 = tpu.vector_load %arg7[%get3A_1594, %get3A_1595] {strides = array<i32>} : memref<400x64xf32, #tpu.memory_space<vmem>>, vector<1x16xf32>,
        %get3A_1597 = vector.shape_cast %get3A_1596 : vector<1x16xf32> to vector<16xf32>
        %mul3A_1598 = arith.mulf %gather3A_1577, %get3A_1597 : vector<16xf32>
        %add3A_1599 = arith.addf %add3A_1567, %mul3A_1598 : vector<16xf32>
        %get3A_1600 = arith.index_cast %add3A_1581 : i32 to index
        %get3A_1601 = arith.constant 48 : index
        %get3A_1602 = tpu.vector_load %arg7[%get3A_1600, %get3A_1601] {strides = array<i32>} : memref<400x64xf32, #tpu.memory_space<vmem>>, vector<1x16xf32>,
        %get3A_1603 = vector.shape_cast %get3A_1602 : vector<1x16xf32> to vector<16xf32>
        %mul3A_1604 = arith.mulf %gather3A_1577, %get3A_1603 : vector<16xf32>
        %add3A_1605 = arith.addf %add3A_1573, %mul3A_1604 : vector<16xf32>
        %broadcast_in_dim3A_1606 = arith.constant 12 : i32
        %broadcast_in_dim3A_1607 = vector.broadcast %broadcast_in_dim3A_1606 : i32 to vector<16x1xi32>
        %gather3A_1608 = vector.shape_cast %broadcast_in_dim3A_1607 : vector<16x1xi32> to vector<16xi32>
        %gather3A_1609 = tpu.dynamic_gather %get3A_187[%gather3A_1608] in [0] : vector<16xf32>, vector<16xi32> -> vector<16xf32>
        %mul3A_1610 = arith.constant 50 : i32
        %mul3A_1611 = arith.muli %scan3A_176, %mul3A_1610 : i32
        %add3A_1612 = arith.constant 44 : i32
        %add3A_1613 = arith.addi %mul3A_1611, %add3A_1612 : i32
        %get3A_1614 = arith.index_cast %add3A_1613 : i32 to index
        %get3A_1615 = arith.constant 0 : index
        %get3A_1616 = tpu.vector_load %arg7[%get3A_1614, %get3A_1615] {strides = array<i32>} : memref<400x64xf32, #tpu.memory_space<vmem>>, vector<1x16xf32>,
        %get3A_1617 = vector.shape_cast %get3A_1616 : vector<1x16xf32> to vector<16xf32>
        %mul3A_1618 = arith.mulf %gather3A_1609, %get3A_1617 : vector<16xf32>
        %add3A_1619 = arith.addf %add3A_1587, %mul3A_1618 : vector<16xf32>
        %get3A_1620 = arith.index_cast %add3A_1613 : i32 to index
        %get3A_1621 = arith.constant 16 : index
        %get3A_1622 = tpu.vector_load %arg7[%get3A_1620, %get3A_1621] {strides = array<i32>} : memref<400x64xf32, #tpu.memory_space<vmem>>, vector<1x16xf32>,
        %get3A_1623 = vector.shape_cast %get3A_1622 : vector<1x16xf32> to vector<16xf32>
        %mul3A_1624 = arith.mulf %gather3A_1609, %get3A_1623 : vector<16xf32>
        %add3A_1625 = arith.addf %add3A_1593, %mul3A_1624 : vector<16xf32>
        %get3A_1626 = arith.index_cast %add3A_1613 : i32 to index
        %get3A_1627 = arith.constant 32 : index
        %get3A_1628 = tpu.vector_load %arg7[%get3A_1626, %get3A_1627] {strides = array<i32>} : memref<400x64xf32, #tpu.memory_space<vmem>>, vector<1x16xf32>,
        %get3A_1629 = vector.shape_cast %get3A_1628 : vector<1x16xf32> to vector<16xf32>
        %mul3A_1630 = arith.mulf %gather3A_1609, %get3A_1629 : vector<16xf32>
        %add3A_1631 = arith.addf %add3A_1599, %mul3A_1630 : vector<16xf32>
        %get3A_1632 = arith.index_cast %add3A_1613 : i32 to index
        %get3A_1633 = arith.constant 48 : index
        %get3A_1634 = tpu.vector_load %arg7[%get3A_1632, %get3A_1633] {strides = array<i32>} : memref<400x64xf32, #tpu.memory_space<vmem>>, vector<1x16xf32>,
        %get3A_1635 = vector.shape_cast %get3A_1634 : vector<1x16xf32> to vector<16xf32>
        %mul3A_1636 = arith.mulf %gather3A_1609, %get3A_1635 : vector<16xf32>
        %add3A_1637 = arith.addf %add3A_1605, %mul3A_1636 : vector<16xf32>
        %broadcast_in_dim3A_1638 = arith.constant 13 : i32
        %broadcast_in_dim3A_1639 = vector.broadcast %broadcast_in_dim3A_1638 : i32 to vector<16x1xi32>
        %gather3A_1640 = vector.shape_cast %broadcast_in_dim3A_1639 : vector<16x1xi32> to vector<16xi32>
        %gather3A_1641 = tpu.dynamic_gather %get3A_187[%gather3A_1640] in [0] : vector<16xf32>, vector<16xi32> -> vector<16xf32>
        %mul3A_1642 = arith.constant 50 : i32
        %mul3A_1643 = arith.muli %scan3A_176, %mul3A_1642 : i32
        %add3A_1644 = arith.constant 45 : i32
        %add3A_1645 = arith.addi %mul3A_1643, %add3A_1644 : i32
        %get3A_1646 = arith.index_cast %add3A_1645 : i32 to index
        %get3A_1647 = arith.constant 0 : index
        %get3A_1648 = tpu.vector_load %arg7[%get3A_1646, %get3A_1647] {strides = array<i32>} : memref<400x64xf32, #tpu.memory_space<vmem>>, vector<1x16xf32>,
        %get3A_1649 = vector.shape_cast %get3A_1648 : vector<1x16xf32> to vector<16xf32>
        %mul3A_1650 = arith.mulf %gather3A_1641, %get3A_1649 : vector<16xf32>
        %add3A_1651 = arith.addf %add3A_1619, %mul3A_1650 : vector<16xf32>
        %get3A_1652 = arith.index_cast %add3A_1645 : i32 to index
        %get3A_1653 = arith.constant 16 : index
        %get3A_1654 = tpu.vector_load %arg7[%get3A_1652, %get3A_1653] {strides = array<i32>} : memref<400x64xf32, #tpu.memory_space<vmem>>, vector<1x16xf32>,
        %get3A_1655 = vector.shape_cast %get3A_1654 : vector<1x16xf32> to vector<16xf32>
        %mul3A_1656 = arith.mulf %gather3A_1641, %get3A_1655 : vector<16xf32>
        %add3A_1657 = arith.addf %add3A_1625, %mul3A_1656 : vector<16xf32>
        %get3A_1658 = arith.index_cast %add3A_1645 : i32 to index
        %get3A_1659 = arith.constant 32 : index
        %get3A_1660 = tpu.vector_load %arg7[%get3A_1658, %get3A_1659] {strides = array<i32>} : memref<400x64xf32, #tpu.memory_space<vmem>>, vector<1x16xf32>,
        %get3A_1661 = vector.shape_cast %get3A_1660 : vector<1x16xf32> to vector<16xf32>
        %mul3A_1662 = arith.mulf %gather3A_1641, %get3A_1661 : vector<16xf32>
        %add3A_1663 = arith.addf %add3A_1631, %mul3A_1662 : vector<16xf32>
        %get3A_1664 = arith.index_cast %add3A_1645 : i32 to index
        %get3A_1665 = arith.constant 48 : index
        %get3A_1666 = tpu.vector_load %arg7[%get3A_1664, %get3A_1665] {strides = array<i32>} : memref<400x64xf32, #tpu.memory_space<vmem>>, vector<1x16xf32>,
        %get3A_1667 = vector.shape_cast %get3A_1666 : vector<1x16xf32> to vector<16xf32>
        %mul3A_1668 = arith.mulf %gather3A_1641, %get3A_1667 : vector<16xf32>
        %add3A_1669 = arith.addf %add3A_1637, %mul3A_1668 : vector<16xf32>
        %broadcast_in_dim3A_1670 = arith.constant 14 : i32
        %broadcast_in_dim3A_1671 = vector.broadcast %broadcast_in_dim3A_1670 : i32 to vector<16x1xi32>
        %gather3A_1672 = vector.shape_cast %broadcast_in_dim3A_1671 : vector<16x1xi32> to vector<16xi32>
        %gather3A_1673 = tpu.dynamic_gather %get3A_187[%gather3A_1672] in [0] : vector<16xf32>, vector<16xi32> -> vector<16xf32>
        %mul3A_1674 = arith.constant 50 : i32
        %mul3A_1675 = arith.muli %scan3A_176, %mul3A_1674 : i32
        %add3A_1676 = arith.constant 46 : i32
        %add3A_1677 = arith.addi %mul3A_1675, %add3A_1676 : i32
        %get3A_1678 = arith.index_cast %add3A_1677 : i32 to index
        %get3A_1679 = arith.constant 0 : index
        %get3A_1680 = tpu.vector_load %arg7[%get3A_1678, %get3A_1679] {strides = array<i32>} : memref<400x64xf32, #tpu.memory_space<vmem>>, vector<1x16xf32>,
        %get3A_1681 = vector.shape_cast %get3A_1680 : vector<1x16xf32> to vector<16xf32>
        %mul3A_1682 = arith.mulf %gather3A_1673, %get3A_1681 : vector<16xf32>
        %add3A_1683 = arith.addf %add3A_1651, %mul3A_1682 : vector<16xf32>
        %get3A_1684 = arith.index_cast %add3A_1677 : i32 to index
        %get3A_1685 = arith.constant 16 : index
        %get3A_1686 = tpu.vector_load %arg7[%get3A_1684, %get3A_1685] {strides = array<i32>} : memref<400x64xf32, #tpu.memory_space<vmem>>, vector<1x16xf32>,
        %get3A_1687 = vector.shape_cast %get3A_1686 : vector<1x16xf32> to vector<16xf32>
        %mul3A_1688 = arith.mulf %gather3A_1673, %get3A_1687 : vector<16xf32>
        %add3A_1689 = arith.addf %add3A_1657, %mul3A_1688 : vector<16xf32>
        %get3A_1690 = arith.index_cast %add3A_1677 : i32 to index
        %get3A_1691 = arith.constant 32 : index
        %get3A_1692 = tpu.vector_load %arg7[%get3A_1690, %get3A_1691] {strides = array<i32>} : memref<400x64xf32, #tpu.memory_space<vmem>>, vector<1x16xf32>,
        %get3A_1693 = vector.shape_cast %get3A_1692 : vector<1x16xf32> to vector<16xf32>
        %mul3A_1694 = arith.mulf %gather3A_1673, %get3A_1693 : vector<16xf32>
        %add3A_1695 = arith.addf %add3A_1663, %mul3A_1694 : vector<16xf32>
        %get3A_1696 = arith.index_cast %add3A_1677 : i32 to index
        %get3A_1697 = arith.constant 48 : index
        %get3A_1698 = tpu.vector_load %arg7[%get3A_1696, %get3A_1697] {strides = array<i32>} : memref<400x64xf32, #tpu.memory_space<vmem>>, vector<1x16xf32>,
        %get3A_1699 = vector.shape_cast %get3A_1698 : vector<1x16xf32> to vector<16xf32>
        %mul3A_1700 = arith.mulf %gather3A_1673, %get3A_1699 : vector<16xf32>
        %add3A_1701 = arith.addf %add3A_1669, %mul3A_1700 : vector<16xf32>
        %broadcast_in_dim3A_1702 = arith.constant 15 : i32
        %broadcast_in_dim3A_1703 = vector.broadcast %broadcast_in_dim3A_1702 : i32 to vector<16x1xi32>
        %gather3A_1704 = vector.shape_cast %broadcast_in_dim3A_1703 : vector<16x1xi32> to vector<16xi32>
        %gather3A_1705 = tpu.dynamic_gather %get3A_187[%gather3A_1704] in [0] : vector<16xf32>, vector<16xi32> -> vector<16xf32>
        %mul3A_1706 = arith.constant 50 : i32
        %mul3A_1707 = arith.muli %scan3A_176, %mul3A_1706 : i32
        %add3A_1708 = arith.constant 47 : i32
        %add3A_1709 = arith.addi %mul3A_1707, %add3A_1708 : i32
        %get3A_1710 = arith.index_cast %add3A_1709 : i32 to index
        %get3A_1711 = arith.constant 0 : index
        %get3A_1712 = tpu.vector_load %arg7[%get3A_1710, %get3A_1711] {strides = array<i32>} : memref<400x64xf32, #tpu.memory_space<vmem>>, vector<1x16xf32>,
        %get3A_1713 = vector.shape_cast %get3A_1712 : vector<1x16xf32> to vector<16xf32>
        %mul3A_1714 = arith.mulf %gather3A_1705, %get3A_1713 : vector<16xf32>
        %add3A_1715 = arith.addf %add3A_1683, %mul3A_1714 : vector<16xf32>
        %get3A_1716 = arith.index_cast %add3A_1709 : i32 to index
        %get3A_1717 = arith.constant 16 : index
        %get3A_1718 = tpu.vector_load %arg7[%get3A_1716, %get3A_1717] {strides = array<i32>} : memref<400x64xf32, #tpu.memory_space<vmem>>, vector<1x16xf32>,
        %get3A_1719 = vector.shape_cast %get3A_1718 : vector<1x16xf32> to vector<16xf32>
        %mul3A_1720 = arith.mulf %gather3A_1705, %get3A_1719 : vector<16xf32>
        %add3A_1721 = arith.addf %add3A_1689, %mul3A_1720 : vector<16xf32>
        %get3A_1722 = arith.index_cast %add3A_1709 : i32 to index
        %get3A_1723 = arith.constant 32 : index
        %get3A_1724 = tpu.vector_load %arg7[%get3A_1722, %get3A_1723] {strides = array<i32>} : memref<400x64xf32, #tpu.memory_space<vmem>>, vector<1x16xf32>,
        %get3A_1725 = vector.shape_cast %get3A_1724 : vector<1x16xf32> to vector<16xf32>
        %mul3A_1726 = arith.mulf %gather3A_1705, %get3A_1725 : vector<16xf32>
        %add3A_1727 = arith.addf %add3A_1695, %mul3A_1726 : vector<16xf32>
        %get3A_1728 = arith.index_cast %add3A_1709 : i32 to index
        %get3A_1729 = arith.constant 48 : index
        %get3A_1730 = tpu.vector_load %arg7[%get3A_1728, %get3A_1729] {strides = array<i32>} : memref<400x64xf32, #tpu.memory_space<vmem>>, vector<1x16xf32>,
        %get3A_1731 = vector.shape_cast %get3A_1730 : vector<1x16xf32> to vector<16xf32>
        %mul3A_1732 = arith.mulf %gather3A_1705, %get3A_1731 : vector<16xf32>
        %add3A_1733 = arith.addf %add3A_1701, %mul3A_1732 : vector<16xf32>
        %broadcast_in_dim3A_1734 = arith.constant 0 : i32
        %broadcast_in_dim3A_1735 = vector.broadcast %broadcast_in_dim3A_1734 : i32 to vector<16x1xi32>
        %gather3A_1736 = vector.shape_cast %broadcast_in_dim3A_1735 : vector<16x1xi32> to vector<16xi32>
        %gather3A_1737 = tpu.dynamic_gather %get3A_191[%gather3A_1736] in [0] : vector<16xf32>, vector<16xi32> -> vector<16xf32>
        %mul3A_1738 = arith.constant 50 : i32
        %mul3A_1739 = arith.muli %scan3A_176, %mul3A_1738 : i32
        %add3A_1740 = arith.constant 48 : i32
        %add3A_1741 = arith.addi %mul3A_1739, %add3A_1740 : i32
        %get3A_1742 = arith.index_cast %add3A_1741 : i32 to index
        %get3A_1743 = arith.constant 0 : index
        %get3A_1744 = tpu.vector_load %arg7[%get3A_1742, %get3A_1743] {strides = array<i32>} : memref<400x64xf32, #tpu.memory_space<vmem>>, vector<1x16xf32>,
        %get3A_1745 = vector.shape_cast %get3A_1744 : vector<1x16xf32> to vector<16xf32>
        %mul3A_1746 = arith.mulf %gather3A_1737, %get3A_1745 : vector<16xf32>
        %add3A_1747 = arith.addf %add3A_1715, %mul3A_1746 : vector<16xf32>
        %get3A_1748 = arith.index_cast %add3A_1741 : i32 to index
        %get3A_1749 = arith.constant 16 : index
        %get3A_1750 = tpu.vector_load %arg7[%get3A_1748, %get3A_1749] {strides = array<i32>} : memref<400x64xf32, #tpu.memory_space<vmem>>, vector<1x16xf32>,
        %get3A_1751 = vector.shape_cast %get3A_1750 : vector<1x16xf32> to vector<16xf32>
        %mul3A_1752 = arith.mulf %gather3A_1737, %get3A_1751 : vector<16xf32>
        %add3A_1753 = arith.addf %add3A_1721, %mul3A_1752 : vector<16xf32>
        %get3A_1754 = arith.index_cast %add3A_1741 : i32 to index
        %get3A_1755 = arith.constant 32 : index
        %get3A_1756 = tpu.vector_load %arg7[%get3A_1754, %get3A_1755] {strides = array<i32>} : memref<400x64xf32, #tpu.memory_space<vmem>>, vector<1x16xf32>,
        %get3A_1757 = vector.shape_cast %get3A_1756 : vector<1x16xf32> to vector<16xf32>
        %mul3A_1758 = arith.mulf %gather3A_1737, %get3A_1757 : vector<16xf32>
        %add3A_1759 = arith.addf %add3A_1727, %mul3A_1758 : vector<16xf32>
        %get3A_1760 = arith.index_cast %add3A_1741 : i32 to index
        %get3A_1761 = arith.constant 48 : index
        %get3A_1762 = tpu.vector_load %arg7[%get3A_1760, %get3A_1761] {strides = array<i32>} : memref<400x64xf32, #tpu.memory_space<vmem>>, vector<1x16xf32>,
        %get3A_1763 = vector.shape_cast %get3A_1762 : vector<1x16xf32> to vector<16xf32>
        %mul3A_1764 = arith.mulf %gather3A_1737, %get3A_1763 : vector<16xf32>
        %add3A_1765 = arith.addf %add3A_1733, %mul3A_1764 : vector<16xf32>
        %broadcast_in_dim3A_1766 = arith.constant 1 : i32
        %broadcast_in_dim3A_1767 = vector.broadcast %broadcast_in_dim3A_1766 : i32 to vector<16x1xi32>
        %gather3A_1768 = vector.shape_cast %broadcast_in_dim3A_1767 : vector<16x1xi32> to vector<16xi32>
        %gather3A_1769 = tpu.dynamic_gather %get3A_191[%gather3A_1768] in [0] : vector<16xf32>, vector<16xi32> -> vector<16xf32>
        %mul3A_1770 = arith.constant 50 : i32
        %mul3A_1771 = arith.muli %scan3A_176, %mul3A_1770 : i32
        %add3A_1772 = arith.constant 49 : i32
        %add3A_1773 = arith.addi %mul3A_1771, %add3A_1772 : i32
        %get3A_1774 = arith.index_cast %add3A_1773 : i32 to index
        %get3A_1775 = arith.constant 0 : index
        %get3A_1776 = tpu.vector_load %arg7[%get3A_1774, %get3A_1775] {strides = array<i32>} : memref<400x64xf32, #tpu.memory_space<vmem>>, vector<1x16xf32>,
        %get3A_1777 = vector.shape_cast %get3A_1776 : vector<1x16xf32> to vector<16xf32>
        %mul3A_1778 = arith.mulf %gather3A_1769, %get3A_1777 : vector<16xf32>
        %add3A_1779 = arith.addf %add3A_1747, %mul3A_1778 : vector<16xf32>
        %get3A_1780 = arith.index_cast %add3A_1773 : i32 to index
        %get3A_1781 = arith.constant 16 : index
        %get3A_1782 = tpu.vector_load %arg7[%get3A_1780, %get3A_1781] {strides = array<i32>} : memref<400x64xf32, #tpu.memory_space<vmem>>, vector<1x16xf32>,
        %get3A_1783 = vector.shape_cast %get3A_1782 : vector<1x16xf32> to vector<16xf32>
        %mul3A_1784 = arith.mulf %gather3A_1769, %get3A_1783 : vector<16xf32>
        %add3A_1785 = arith.addf %add3A_1753, %mul3A_1784 : vector<16xf32>
        %get3A_1786 = arith.index_cast %add3A_1773 : i32 to index
        %get3A_1787 = arith.constant 32 : index
        %get3A_1788 = tpu.vector_load %arg7[%get3A_1786, %get3A_1787] {strides = array<i32>} : memref<400x64xf32, #tpu.memory_space<vmem>>, vector<1x16xf32>,
        %get3A_1789 = vector.shape_cast %get3A_1788 : vector<1x16xf32> to vector<16xf32>
        %mul3A_1790 = arith.mulf %gather3A_1769, %get3A_1789 : vector<16xf32>
        %add3A_1791 = arith.addf %add3A_1759, %mul3A_1790 : vector<16xf32>
        %get3A_1792 = arith.index_cast %add3A_1773 : i32 to index
        %get3A_1793 = arith.constant 48 : index
        %get3A_1794 = tpu.vector_load %arg7[%get3A_1792, %get3A_1793] {strides = array<i32>} : memref<400x64xf32, #tpu.memory_space<vmem>>, vector<1x16xf32>,
        %get3A_1795 = vector.shape_cast %get3A_1794 : vector<1x16xf32> to vector<16xf32>
        %mul3A_1796 = arith.mulf %gather3A_1769, %get3A_1795 : vector<16xf32>
        %add3A_1797 = arith.addf %add3A_1765, %mul3A_1796 : vector<16xf32>
        %add3A_1798 = arith.addi %mul3A_10, %scan3A_176 : i32
        %swap3A = arith.index_cast %add3A_1798 : i32 to index
        %swap3A_1799 = arith.constant 0 : index
        %swap3A_1800 = tpu.vector_load %arg9[%swap3A, %swap3A_1799] {strides = array<i32>} : memref<128x64xf32, #tpu.memory_space<vmem>>, vector<1x16xf32>,
        %swap3A_1801 = vector.shape_cast %swap3A_1800 : vector<1x16xf32> to vector<16xf32>
        %swap3A_1802 = vector.shape_cast %add3A_1779 : vector<16xf32> to vector<1x16xf32>
        tpu.vector_store %arg9[%swap3A, %swap3A_1799], %swap3A_1802 {strides = array<i32>} : memref<128x64xf32, #tpu.memory_space<vmem>>, vector<1x16xf32>,
        %add3A_1803 = arith.addi %mul3A_10, %scan3A_176 : i32
        %swap3A_1804 = arith.index_cast %add3A_1803 : i32 to index
        %swap3A_1805 = arith.constant 16 : index
        %swap3A_1806 = tpu.vector_load %arg9[%swap3A_1804, %swap3A_1805] {strides = array<i32>} : memref<128x64xf32, #tpu.memory_space<vmem>>, vector<1x16xf32>,
        %swap3A_1807 = vector.shape_cast %swap3A_1806 : vector<1x16xf32> to vector<16xf32>
        %swap3A_1808 = vector.shape_cast %add3A_1785 : vector<16xf32> to vector<1x16xf32>
        tpu.vector_store %arg9[%swap3A_1804, %swap3A_1805], %swap3A_1808 {strides = array<i32>} : memref<128x64xf32, #tpu.memory_space<vmem>>, vector<1x16xf32>,
        %add3A_1809 = arith.addi %mul3A_10, %scan3A_176 : i32
        %swap3A_1810 = arith.index_cast %add3A_1809 : i32 to index
        %swap3A_1811 = arith.constant 32 : index
        %swap3A_1812 = tpu.vector_load %arg9[%swap3A_1810, %swap3A_1811] {strides = array<i32>} : memref<128x64xf32, #tpu.memory_space<vmem>>, vector<1x16xf32>,
        %swap3A_1813 = vector.shape_cast %swap3A_1812 : vector<1x16xf32> to vector<16xf32>
        %swap3A_1814 = vector.shape_cast %add3A_1791 : vector<16xf32> to vector<1x16xf32>
        tpu.vector_store %arg9[%swap3A_1810, %swap3A_1811], %swap3A_1814 {strides = array<i32>} : memref<128x64xf32, #tpu.memory_space<vmem>>, vector<1x16xf32>,
        %add3A_1815 = arith.addi %mul3A_10, %scan3A_176 : i32
        %swap3A_1816 = arith.index_cast %add3A_1815 : i32 to index
        %swap3A_1817 = arith.constant 48 : index
        %swap3A_1818 = tpu.vector_load %arg9[%swap3A_1816, %swap3A_1817] {strides = array<i32>} : memref<128x64xf32, #tpu.memory_space<vmem>>, vector<1x16xf32>,
        %swap3A_1819 = vector.shape_cast %swap3A_1818 : vector<1x16xf32> to vector<16xf32>
        %swap3A_1820 = vector.shape_cast %add3A_1797 : vector<16xf32> to vector<1x16xf32>
        tpu.vector_store %arg9[%swap3A_1816, %swap3A_1817], %swap3A_1820 {strides = array<i32>} : memref<128x64xf32, #tpu.memory_space<vmem>>, vector<1x16xf32>,
      }
      %scan3A_175 = arith.constant 8 : i32
    }
    %scan3A_7 = arith.constant 16 : i32
    "tpu.region"() ({
      %run_scoped3A = tpu.sem_alloc : memref<!tpu.dma_semaphore, #tpu.memory_space<semaphore_mem>>
      %dma_start3A = arith.constant 0 : i32
      %dma_start3A_8 = tpu.memref_slice %arg5[%mul3A_2, %dma_start3A] : memref<4096x64xf32, #tpu.memory_space<hbm>> -> memref<128x64xf32, #tpu.memory_space<hbm>>
      %dma_start3A_9 = arith.constant 0 : i32
      %dma_start3A_10 = tpu.memref_slice %arg5[%mul3A_2, %dma_start3A_9] : memref<4096x64xf32, #tpu.memory_space<hbm>> -> memref<128x64xf32, #tpu.memory_space<hbm>>
      tpu.enqueue_dma source(%arg9 : memref<128x64xf32, #tpu.memory_space<vmem>>) target(%dma_start3A_10 : memref<128x64xf32, #tpu.memory_space<hbm>>) target_semaphore(%run_scoped3A : memref<!tpu.dma_semaphore, #tpu.memory_space<semaphore_mem>>)
      %dma_wait3A = arith.constant 0 : i32
      %dma_wait3A_11 = tpu.memref_slice %arg5[%mul3A_2, %dma_wait3A] : memref<4096x64xf32, #tpu.memory_space<hbm>> -> memref<128x64xf32, #tpu.memory_space<hbm>>
      %dma_wait3A_12 = arith.constant 0 : i32
      %dma_wait3A_13 = tpu.memref_slice %arg5[%mul3A_2, %dma_wait3A_12] : memref<4096x64xf32, #tpu.memory_space<hbm>> -> memref<128x64xf32, #tpu.memory_space<hbm>>
      tpu.wait_dma2 semaphore(%run_scoped3A : memref<!tpu.dma_semaphore, #tpu.memory_space<semaphore_mem>>) src(%arg9 : memref<128x64xf32, #tpu.memory_space<vmem>>) dst(%dma_wait3A_13 : memref<128x64xf32, #tpu.memory_space<hbm>>)
      tpu.yield
    }) : () -> ()
    return
  }
}

module attributes {stable_mosaic.version = 14 : i64} {
  func.func @_mlp_body(%arg0: memref<4096x64xf32, #tpu.memory_space<vmem>>, %arg1: memref<4096x50xf32, #tpu.memory_space<vmem>>, %arg2: memref<4096x1xf32, #tpu.memory_space<vmem>>, %arg3: memref<50x64xf32, #tpu.memory_space<vmem>>, %arg4: memref<1x50xf32, #tpu.memory_space<vmem>>, %arg5: memref<10x50xf32, #tpu.memory_space<vmem>>, %arg6: memref<1x10xf32, #tpu.memory_space<vmem>>, %arg7: memref<4096x10xf32, #tpu.memory_space<vmem>>) attributes {dimension_semantics = [], scalar_prefetch = 0 : i64, scratch_operands = 0 : i64, tpu.core_type = #tpu.core_type<tc>} {
    %get3A = arith.constant 0 : index
    %get3A_0 = arith.constant 0 : index
    %get3A_1 = vector.load %arg1[%get3A, %get3A_0] : memref<4096x50xf32, #tpu.memory_space<vmem>>, vector<4096x50xf32>
    %reduce_sum3A = arith.constant dense<0.000000e+00> : vector<4096xf32>
    %reduce_sum3A_2 = vector.multi_reduction <add>, %get3A_1, %reduce_sum3A [1] : vector<4096x50xf32> to vector<4096xf32>
    %broadcast_in_dim3A = vector.shape_cast %reduce_sum3A_2 : vector<4096xf32> to vector<4096x1xf32>
    %get3A_3 = arith.constant 0 : index
    %get3A_4 = arith.constant 0 : index
    %get3A_5 = vector.load %arg2[%get3A_3, %get3A_4] : memref<4096x1xf32, #tpu.memory_space<vmem>>, vector<4096x1xf32>
    %mul3A = arith.mulf %broadcast_in_dim3A, %get3A_5 : vector<4096x1xf32>
    %div3A = arith.constant 1.000000e+00 : f32
    %div3A_6 = vector.broadcast %div3A : f32 to vector<4096x1xf32>
    %div3A_7 = arith.divf %div3A_6, %mul3A : vector<4096x1xf32>
    %get3A_8 = arith.constant 0 : index
    %get3A_9 = arith.constant 0 : index
    %get3A_10 = vector.load %arg0[%get3A_8, %get3A_9] : memref<4096x64xf32, #tpu.memory_space<vmem>>, vector<4096x64xf32>
    %mul3A_11 = vector.broadcast %div3A_7 : vector<4096x1xf32> to vector<4096x64xf32>
    %mul3A_12 = arith.mulf %get3A_10, %mul3A_11 : vector<4096x64xf32>
    %get3A_13 = arith.constant 0 : index
    %get3A_14 = arith.constant 0 : index
    %get3A_15 = vector.load %arg3[%get3A_13, %get3A_14] : memref<50x64xf32, #tpu.memory_space<vmem>>, vector<50x64xf32>
    %dot_general3A = arith.constant dense<0.000000e+00> : vector<4096x50xf32>
    %dot_general3A_16 = tpu.matmul %mul3A_12, %get3A_15, %dot_general3A {dimension_numbers = #tpu.dot_dimension_numbers<[1], [1], [0], [0], [0, 0, 1, 0], [], []>, transpose_lhs_hint = false} : vector<4096x64xf32>, vector<50x64xf32>, vector<4096x50xf32> -> vector<4096x50xf32>
    %get3A_17 = arith.constant 0 : index
    %get3A_18 = arith.constant 0 : index
    %get3A_19 = vector.load %arg4[%get3A_17, %get3A_18] : memref<1x50xf32, #tpu.memory_space<vmem>>, vector<1x50xf32>
    %add3A = vector.broadcast %get3A_19 : vector<1x50xf32> to vector<4096x50xf32>
    %add3A_20 = arith.addf %dot_general3A_16, %add3A : vector<4096x50xf32>
    %max3A = arith.constant 0.000000e+00 : f32
    %max3A_21 = vector.broadcast %max3A : f32 to vector<4096x50xf32>
    %max3A_22 = arith.maximumf %add3A_20, %max3A_21 : vector<4096x50xf32>
    %get3A_23 = arith.constant 0 : index
    %get3A_24 = arith.constant 0 : index
    %get3A_25 = vector.load %arg5[%get3A_23, %get3A_24] : memref<10x50xf32, #tpu.memory_space<vmem>>, vector<10x50xf32>
    %dot_general3A_26 = arith.constant dense<0.000000e+00> : vector<4096x10xf32>
    %dot_general3A_27 = tpu.matmul %max3A_22, %get3A_25, %dot_general3A_26 {dimension_numbers = #tpu.dot_dimension_numbers<[1], [1], [0], [0], [0, 0, 1, 0], [], []>, transpose_lhs_hint = false} : vector<4096x50xf32>, vector<10x50xf32>, vector<4096x10xf32> -> vector<4096x10xf32>
    %get3A_28 = arith.constant 0 : index
    %get3A_29 = arith.constant 0 : index
    %get3A_30 = vector.load %arg6[%get3A_28, %get3A_29] : memref<1x10xf32, #tpu.memory_space<vmem>>, vector<1x10xf32>
    %add3A_31 = vector.broadcast %get3A_30 : vector<1x10xf32> to vector<4096x10xf32>
    %add3A_32 = arith.addf %dot_general3A_27, %add3A_31 : vector<4096x10xf32>
    %swap3A = arith.constant 0 : index
    %swap3A_33 = arith.constant 0 : index
    %swap3A_34 = vector.load %arg7[%swap3A, %swap3A_33] : memref<4096x10xf32, #tpu.memory_space<vmem>>, vector<4096x10xf32>
    tpu.vector_store %arg7[%swap3A, %swap3A_33], %add3A_32 {strides = array<i32>} : memref<4096x10xf32, #tpu.memory_space<vmem>>, vector<4096x10xf32>,
    return
  }
}

</mosaic_0001>

<sc_bundles>
// kernel: kernel.4.cloned.1.call-start
scs
__scs_entry_jumppad:
0x0: {  	(pc) =	sbr.rel $0x88, $3  }
0x1: {  	(tag) =	ssettag $0x0;
	lr =	simm.s32 $0x1  }
0x2: {  	[smem:$0x3F99] =	sst lr;
	_ =	strace $0xD0000000  }
0x3: {  	_ = 	snop  }
0x4: {  	_ = 	snop  }
0x5: {  	_ = 	snop  }
0x6: {  	_ = 	snop  }
0x7: {  	_ = 	snop  }
__scs_overlays_trampoline_lowered:
0x8: {  	[smem:$0x3FA8] =	sst s0  }
0x9: {  	[smem:$0x3FA9] =	sst s1  }
0xa: {  	[smem:$0x3FAA] =	sst s2  }
0xb: {  	[smem:$0x3FAB] =	sst s3  }
0xc: {  	[smem:$0x3FAC] =	sst s4  }
0xd: {  	[smem:$0x3FAD] =	sst s5  }
0xe: {  	[smem:$0x3FAE] =	sst s6  }
0xf: {  	[smem:$0x3FAF] =	sst s7  }
0x10: {  	[smem:$0x3FB0] =	sst s8  }
0x11: {  	[smem:$0x3FB1] =	sst s9;
	s0 =	simm.s32 @!p0 $0x0  }
0x12: {  	s1 =	sld [smem:$0x3F97];
	s0 =	simm.s32 @p0 $0x1  }
0x13: {  	[smem:$0x3FB2] =	sst s0;
	s0 =	simm.s32 @!p1 $0x0  }
0x14: {  	s2 =	sld [smem:$0x3F96];
	s0 =	simm.s32 @p1 $0x1  }
0x15: {  	[smem:$0x3FB3] =	sst s0;
	s0 =	simm.s32 @!p2 $0x0  }
0x16: {  	s3 =	sld [smem:$0x3FDB];
	s0 =	simm.s32 @p2 $0x1  }
0x17: {  	s4 =	simm.s32 $0x1BF5;
	[smem:$0x3FB5] =	sst s0  }
0x18: {  	s0 =	sld [smem:$0x3F98];
	_ =	swait.ge [sflag:s4], $0x0  }
0x19: {  	s7 =	sld [smem:$0x3F99]  }
0x1a: {  	s8 =	sadd.s32 $0xFFFFE003, lr  }
0x1b: {  	s9 =	sadd.s32 $0xFFFFFEF7, lr;
	s5 =	simm.s32 $0xFFFFFFFF;
	p2 =	slt.u32 s8, $0xFFFFF086  }
0x1c: {  	p1 =	slt.u32 s9, $0xF7A;
	s5 =	simm.s32 @!p2 $0x0  }
0x1d: {  	s5 =	simm.s32 @p1 $0x1;
	p0 =	seq.s32 s7, s2  }
0x1e: {  	s7 =	smul.u32 @!p0 $0xF7A, s2;
	p2 =	seq.s32 @!p0 s5, $0x0  }
0x1f: {  	s9 =	smul.u32 $0xF7A, s1;
	s8 =	simm.s32 @!p0 $0x1BF5;
	p2 =	por !p2, p0  }
0x20: {  	[sflag:s8] =	ssyncset.s32 @!p0 $0xFFFFF086;
	s6 =	sadd.s32 @!p0 s3, s7;
	s7 =	simm.s32 @!p0 $0x108  }
0x21: {  	s3 =	sadd.s32 s3, s9;
	s6 =	sadd.s32 @!p0 $0x88, s6;
	s7 =	simm.s32 @p2 $0x1082  }
0x22: {  	[simem:s7], [sflag:s8] =	dma.local @!p0 [hbm:s6], $0xF7A  }
0x23: {  	s9 =	sor.u32 $0xD0000000, s2;
	s6 =	simm.s32 $0x108;
	_ =	swait.ge @!p0 [sflag:s8], $0x0  }
0x24: {  	s3 =	sadd.s32 $0x88, s3;
	s6 =	simm.s32 @!p1 $0x1082;
	[sflag:s4] =	ssyncset.s32 $0xFFFFF086  }
0x25: {  	[simem:s6], [sflag:s4] =	dma.local [hbm:s3], $0xF7A  }
0x26: {  	[smem:$0x3F99] =	sst s1;
	(tag) =	ssettag s2;
	_ =	strace s9  }
0x27: {  	s1 =	sld [smem:$0x3FA9]  }
0x28: {  	s2 =	sld [smem:$0x3FAA]  }
0x29: {  	s4 =	sld [smem:$0x3FAC]  }
0x2a: {  	p0 =	seq.s32 s5, $0x0;
	s5 =	sld [smem:$0x3FAD]  }
0x2b: {  	s6 =	sld [smem:$0x3FAE]  }
0x2c: {  	s7 =	sld [smem:$0x3FAF]  }
0x2d: {  	s3 =	simm.s32 $0x108;
	s8 =	sld [smem:$0x3FB0]  }
0x2e: {  	s3 =	simm.s32 @!p0 $0x1082;
	s9 =	sld [smem:$0x3FB1]  }
0x2f: {  	lr =	sadd.s32 s0, s3;
	s0 =	sld [smem:$0x3FA8]  }
0x30: {  	s3 =	sld [smem:$0x3FAB]  }
0x31: {  	[smem:$0x3FB4] =	sst s10  }
0x32: {  	s10 =	sld [smem:$0x3FB2];
	_ =	sdelay $0x3  }
0x33: {  	p0 =	seq.s32 s10, $0x1;
	s10 =	sld [smem:$0x3FB4];
	_ =	sdelay $0x3  }
0x34: {  	[smem:$0x3FB4] =	sst s10  }
0x35: {  	s10 =	sld [smem:$0x3FB3];
	_ =	sdelay $0x3  }
0x36: {  	p1 =	seq.s32 s10, $0x1;
	s10 =	sld [smem:$0x3FB4];
	_ =	sdelay $0x3  }
0x37: {  	[smem:$0x3FB4] =	sst s10  }
0x38: {  	s10 =	sld [smem:$0x3FB5]  }
0x39: {  	_ = 	snop;
	(pc) =	sbr.ind lr, $3  }
0x3a: {  	_ = 	snop  }
0x3b: {  	_ = 	snop  }
0x3c: {  	p2 =	seq.s32 s10, $0x1;
	s10 =	sld [smem:$0x3FB4]  }
0x3d: {  	_ =	shalt  }
0x3e: {  	_ =	shalt  }
0x3f: {  	_ =	shalt  }
0x40: {  	_ =	shalt  }
0x41: {  	_ =	shalt  }
0x42: {  	_ =	shalt  }
0x43: {  	_ =	shalt  }
0x44: {  	_ =	shalt  }
0x45: {  	_ =	shalt  }
0x46: {  	_ =	shalt  }
0x47: {  	_ =	shalt  }
0x48: {  	_ =	shalt  }
0x49: {  	_ =	shalt  }
0x4a: {  	_ =	shalt  }
0x4b: {  	_ =	shalt  }
0x4c: {  	_ =	shalt  }
0x4d: {  	_ =	shalt  }
0x4e: {  	_ =	shalt  }
0x4f: {  	_ =	shalt  }
0x50: {  	_ =	shalt  }
0x51: {  	_ =	shalt  }
0x52: {  	_ =	shalt  }
0x53: {  	_ =	shalt  }
0x54: {  	_ =	shalt  }
0x55: {  	_ =	shalt  }
0x56: {  	_ =	shalt  }
0x57: {  	_ =	shalt  }
0x58: {  	_ =	shalt  }
0x59: {  	_ =	shalt  }
0x5a: {  	_ =	shalt  }
0x5b: {  	_ =	shalt  }
0x5c: {  	_ =	shalt  }
0x5d: {  	_ =	shalt  }
0x5e: {  	_ =	shalt  }
0x5f: {  	_ =	shalt  }
0x60: {  	_ =	shalt  }
0x61: {  	_ =	shalt  }
0x62: {  	_ =	shalt  }
0x63: {  	_ =	shalt  }
0x64: {  	_ =	shalt  }
0x65: {  	_ =	shalt  }
0x66: {  	_ =	shalt  }
0x67: {  	_ =	shalt  }
0x68: {  	_ =	shalt  }
0x69: {  	_ =	shalt  }
0x6a: {  	_ =	shalt  }
0x6b: {  	_ =	shalt  }
0x6c: {  	_ =	shalt  }
0x6d: {  	_ =	shalt  }
0x6e: {  	_ =	shalt  }
0x6f: {  	_ =	shalt  }
0x70: {  	_ =	shalt  }
0x71: {  	_ =	shalt  }
0x72: {  	_ =	shalt  }
0x73: {  	_ =	shalt  }
0x74: {  	_ =	shalt  }
0x75: {  	_ =	shalt  }
0x76: {  	_ =	shalt  }
0x77: {  	_ =	shalt  }
0x78: {  	_ =	shalt  }
0x79: {  	_ =	shalt  }
0x7a: {  	_ =	shalt  }
0x7b: {  	_ =	shalt  }
0x7c: {  	_ =	shalt  }
0x7d: {  	_ =	shalt  }
0x7e: {  	_ =	shalt  }
0x7f: {  	_ =	shalt  }
0x80: {  	_ =	shalt  }
0x81: {  	_ =	shalt  }
0x82: {  	_ =	shalt  }
0x83: {  	_ =	shalt  }
0x84: {  	_ =	shalt  }
0x85: {  	_ =	shalt  }
0x86: {  	_ =	shalt  }
0x87: {  	_ =	shalt  }
.Lfunc_end0:
.L_simem_size_0:
called_computation_lowered:
.L_overlay_start_0:
0x88: {  	s2 =	sld [smem:$0x3FD9]  }
0x89: {  	s3 =	sld [smem:$0x3FFE];
	_ =	sdelay $0x1  }
0x8a: {  	s1 =	srdreg.scid  }
0x8b: {  	s0 =	sand.u32 $0x1, s1  }
0x8c: {  	s16 =	sshll.u32 s0, $0xA;
	s2 =	sadd.s32 s3, s2  }
0x8d: {  	s2 =	sadd.s32 s2, s16  }
0x8e: {  	[smem:$0x3FC0] =	sst s2  }
0x8f: {  	_ = 	snop  }
0x90: {  	(tm) =	ssettm $0x1  }
0x91: {  	s17 =	sld [smem:$0x3FFB];
	_ =	sdelay $0x3  }
0x92: {  	_ =	strace s17  }
0x93: {  	s2 =	sld [smem:$0x3FFC];
	_ =	sdelay $0x3  }
0x94: {  	_ =	strace s2  }
0x95: {  	s2 =	sld [smem:$0x3FFD];
	_ =	sdelay $0x3  }
0x96: {  	_ =	strace s2  }
0x97: {  	_ =	strace $0x8FFFFFFF  }
0x98: {  	s18 =	sld [smem:$0x3FDB];
	_ =	sdelay $0x1  }
0x99: {  	s19 =	simm.s32 $_scs_section_size  }
0x9a: {  	s4 =	simm.s32 $_size__tile_overlayer_lowered;
	s5 =	simm.s32 $_tile_overlayer_lowered  }
0x9b: {  	s22 =	simm.s32 $0x1BFF;
	s21 =	sshll.u32 s5, $0x1;
	s2 =	sadd.s32 s19, s18  }
0x9c: {  	s6 =	simm.s32 $0x0;
	s20 =	sshll.u32 s4, $0x1;
	s4 =	sadd.s32 s21, s2  }
0x9d: {  	[timem:s6], [sflag:s22] =	dma.local [hbm:s4], s20  }
0x9e: {  	_ =	swait.ge [sflag:s22], s20  }
0x9f: {  	s3 =	ssub.s32 $0x0, s20;
	[sflag:s22] =	ssyncset.done $0x0  }
0xa0: {  	[sflag:s22] =	ssyncadd.s32 s3;
	_ =	sdelay $0x1  }
0xa1: {  	s23 =	simm.s32 $0x1B8B  }
0xa2: {  	_ =	swait.ge [sflag:s23], $0x1  }
0xa3: {  	[sflag:s23] =	ssyncset.done $0x0  }
0xa4: {  	s25 =	simm.s32 $0x1B8E;
	s24 =	sld [smem:$0x3FFE];
	[sflag:s23] =	ssyncadd.s32 $0xFFFFFFFF  }
0xa5: {  	s26 =	simm.s32 $execute0_lowered;
	[smem:$0x3FD2] =	sst s25  }
0xa6: {  	s4 =	sshll.u32 s26, $0x1;
	_ =	strace $0x80000046;
	[dreg:$0x1] =	wrdreg $0xFFFFFFFF  }
0xa7: {  	s28 =	simm.s32 $_size_execute0_lowered;
	s2 =	sadd.s32 s2, s4;
	[dreg:$0x0] =	wrdreg $0x0  }
0xa8: {  	s4 =	sshll.u32 s28, $0x1;
	[dreg:$0x2] =	wrdreg s2  }
0xa9: {  	[dreg:$0x3] =	wrdreg s4  }
0xaa: {  	[dreg:$0x4] =	wrdreg $0xC0  }
0xab: {  	_ =	task [dreg:s6], $0x5FFFF  }
0xac: {  	[dreg:$0x1] =	wrdreg $0xFFFFFFFF  }
0xad: {  	[dreg:$0x0] =	wrdreg $0x60  }
0xae: {  	[dreg:$0x2] =	wrdreg s24  }
0xaf: {  	[dreg:$0x3] =	wrdreg $0x9  }
0xb0: {  	_ =	task.clear_ibuf [dreg:s6], $0x4FFFF;
	_ =	strace $0x90000046  }
0xb1: {  	s29 =	simm.s32 $0x9;
	_ =	strace $0x80000048  }
0xb2: {  	_ =	swait.ge [sflag:s29], $0x1  }
0xb3: {  	[sflag:s29] =	ssyncadd.s32 $0xFFFFFFFF  }
0xb4: {  	_ =	strace $0x90000048  }
0xb5: {  	_ =	sfence  }
0xb6: {  	s30 =	sld [smem:$0x0];
	_ =	sdelay $0x2  }
0xb7: {  	s31 =	sshll.u32 s1, $0xD;
	s1 =	sshrl.u32 s1, $0x2  }
0xb8: {  	s3 =	sand.u32 $0x4000, s31;
	s1 =	sadd.s32 s1, s30  }
0xb9: {  	s0 =	sor.u32 s3, s0;
	s1 =	sshll.u32 s1, $0x11  }
0xba: {  	s0 =	sor.u32 s1, s0  }
0xbb: {  	s0 =	sadd.s32 $0x8F2B, s0  }
0xbc: {  	[sflag:s0] =	ssyncadd.remote.s32 $0x1  }
0xbd: {  	_ =	sfence.sel $0xFFFF  }
0xbe: {  	[dreg:$0x0] =	wrdreg $0xFFFFFFFF;
	(pc) =	sbr.abs _section_cstart, $3  }
0xbf: {  	[dreg:$0x1] =	wrdreg $0xFFFFFFFF  }
0xc0: {  	_ =	task.clear_ibuf [dreg:s6], $0x2FFFF;
	_ =	strace $0x9FFFFFFF  }
0xc1: {  	(tm) =	ssettm $0x7FFFFFFF  }
tec
execute0_lowered:
.L_overlay_start_1:
0x0: {  	(tag) =	ssettag $0x1  }
0x1: {  	s1 =	srdreg.scid  }
0x2: {  	s0 =	stileid.u32;
	s6 =	rddreg [dreg:$0x0];
	s3 =	simm.s32 $0x0  }
0x3: {  	s10 =	simm.s32 $0x32;
	s11 =	simm.s32 $0x1C00;
	s12 =	simm.s32 $0x2880  }
0x4: {  	s13 =	simm.s32 $0x3500;
	s14 =	simm.s32 $0x4180;
	s15 =	simm.s32 $0x4E00  }
0x5: {  	s16 =	simm.s32 $0x5A80;
	s17 =	simm.s32 $0x6700;
	s18 =	simm.s32 $0x7380  }
0x6: {  	s19 =	simm.s32 $0x8000;
	s20 =	simm.s32 $0x1;
	s5 =	sand.u32 $0x1, s1  }
0x7: {  	s21 =	simm.s32 $0x8200;
	s30 =	sshll.u32 s0, $0x8;
	s2 =	sshll.u32 s5, $0x7  }
0x8: {  	s22 =	simm.s32 $0x0;
	s1 =	rddreg [dreg:$0x1];
	s2 =	sor.u32 s2, s30  }
0x9: {  	[smem:$0x7FF] =	sst s3;
	s9 =	ssub.s32 $0x2, s5;
	s4 =	smul.u32 $0x7, s2  }
0xa: {  	_ =	strace $0x80000047;
	s5 =	sadd.s32 $0x18FA00, s6;
	s31 =	sshrl.u32 s9, $0x1  }
0xb: {  	s8 =	sshll.u32 s2, $0x3;
	s9 =	ssub.s32 s9, s31;
	s7 =	sadd.s32 s4, s6  }
0xc: {  	s8 =	sadd.s32 s8, s6;
	s4 =	sadd.s32 $0x1000, s6;
	s6 =	sadd.s32 $0x9000, s7  }
0xd: {  	v16 =	vimm.s32 $0x0;
	v20 =	vimm.s32 $0x1;
	s7 =	sadd.s32 $0x10000, s8;
	s8 =	smax.u32 s9, $0x1;
	s9 =	simm.s32 $0x2  }
.LBB2_1:
0xe: {  	[tilespmem:s3], [sflag:$0x2] =	stream.linear.gather [hbm4b:s6+s3], $0x1C00, $0x38;
	[tilespmem:$0xA200] =	vst v63  }
0xf: {  	_ =	swait.ge [sflag:s9], $0x1C00  }
0x10: {  	[sflag:s9] =	ssyncset.done $0x0  }
0x11: {  	s23 =	simm.s32 $0x0;
	[sflag:s9] =	ssyncadd.s32 $0xFFFFE400  }
.LBB2_2:
0x12: {  	s24 =	smul.u32 $0x700, s23;
	_ =	sdelay $0x1  }
0x13: {  	s25 =	sshra.s32 s24, $0x2  }
0x14: {  	[tilespmem:s11], [sflag:$0x1] =	stream.indirect.gather [hbm4b:s5+s10], $0x40, s25, s10, $0xb8;
	[tilespmem:$0xA200] =	vst v63  }
0x15: {  	s24 =	sor.u32 $0x38, s25  }
0x16: {  	[tilespmem:s12], [sflag:$0x1] =	stream.indirect.gather [hbm4b:s5+s10], $0x40, s24, s10, $0xb8;
	[tilespmem:$0xA200] =	vst v63  }
0x17: {  	s31 =	sadd.s32 $0x70, s25  }
0x18: {  	[tilespmem:s13], [sflag:$0x1] =	stream.indirect.gather [hbm4b:s5+s10], $0x40, s31, s10, $0xb8;
	[tilespmem:$0xA200] =	vst v63  }
0x19: {  	s26 =	sadd.s32 $0xA8, s25  }
0x1a: {  	[tilespmem:s14], [sflag:$0x1] =	stream.indirect.gather [hbm4b:s5+s10], $0x40, s26, s10, $0xb8;
	[tilespmem:$0xA200] =	vst v63  }
0x1b: {  	s28 =	sadd.s32 $0xE0, s25  }
0x1c: {  	[tilespmem:s15], [sflag:$0x1] =	stream.indirect.gather [hbm4b:s5+s10], $0x40, s28, s10, $0xb8;
	[tilespmem:$0xA200] =	vst v63  }
0x1d: {  	s29 =	sadd.s32 $0x118, s25  }
0x1e: {  	[tilespmem:s16], [sflag:$0x1] =	stream.indirect.gather [hbm4b:s5+s10], $0x40, s29, s10, $0xb8;
	[tilespmem:$0xA200] =	vst v63  }
0x1f: {  	s30 =	sadd.s32 $0x150, s25;
	s24 =	sshll.u32 s23, $0x3  }
0x20: {  	[tilespmem:s17], [sflag:$0x1] =	stream.indirect.gather [hbm4b:s5+s10], $0x40, s30, s10, $0xb8;
	[tilespmem:$0xA200] =	vst v63  }
0x21: {  	s25 =	sadd.s32 $0x188, s25;
	s31 =	sadd.s32 s2, s24  }
0x22: {  	[tilespmem:s18], [sflag:$0x1] =	stream.indirect.gather [hbm4b:s5+s10], $0x40, s25, s10, $0xb8;
	[tilespmem:$0xA200] =	vst v63  }
0x23: {  	s25 =	sshll.u32 s31, $0x3  }
0x24: {  	s26 =	sadd.s32 s4, s25;
	s25 =	simm.s32 $0x0  }
0x25: {  	[tilespmem:s19], [sflag:$0x2] =	stream.linear.gather [hbm4b:s26+s25], $0x200, $0x38;
	[tilespmem:$0xA200] =	vst v63  }
0x26: {  	_ =	swait.ge [sflag:s9], $0x200  }
0x27: {  	[sflag:s9] =	ssyncset.done $0x0  }
0x28: {  	[sflag:s9] =	ssyncadd.s32 $0xFFFFFE00  }
0x29: {  	_ =	swait.ge [sflag:s20], $0xC80  }
0x2a: {  	[sflag:s20] =	ssyncset.done $0x0  }
0x2b: {  	[sflag:s20] =	ssyncadd.s32 $0xFFFFF380  }
0x2c: {  	_ =	swait.ge [sflag:s20], $0xC80  }
0x2d: {  	[sflag:s20] =	ssyncset.done $0x0  }
0x2e: {  	[sflag:s20] =	ssyncadd.s32 $0xFFFFF380  }
0x2f: {  	_ =	swait.ge [sflag:s20], $0xC80  }
0x30: {  	[sflag:s20] =	ssyncset.done $0x0  }
0x31: {  	[sflag:s20] =	ssyncadd.s32 $0xFFFFF380  }
0x32: {  	_ =	swait.ge [sflag:s20], $0xC80  }
0x33: {  	[sflag:s20] =	ssyncset.done $0x0  }
0x34: {  	[sflag:s20] =	ssyncadd.s32 $0xFFFFF380  }
0x35: {  	_ =	swait.ge [sflag:s20], $0xC80  }
0x36: {  	[sflag:s20] =	ssyncset.done $0x0  }
0x37: {  	[sflag:s20] =	ssyncadd.s32 $0xFFFFF380  }
0x38: {  	_ =	swait.ge [sflag:s20], $0xC80  }
0x39: {  	[sflag:s20] =	ssyncset.done $0x0  }
0x3a: {  	[sflag:s20] =	ssyncadd.s32 $0xFFFFF380  }
0x3b: {  	_ =	swait.ge [sflag:s20], $0xC80  }
0x3c: {  	[sflag:s20] =	ssyncset.done $0x0  }
0x3d: {  	[sflag:s20] =	ssyncadd.s32 $0xFFFFF380  }
0x3e: {  	_ =	swait.ge [sflag:s20], $0xC80  }
0x3f: {  	[sflag:s20] =	ssyncset.done $0x0  }
0x40: {  	[sflag:s20] =	ssyncadd.s32 $0xFFFFF380  }
.LBB2_3:
0x41: {  	s26 =	sshll.u32 s25, $0x6  }
0x42: {  	s26 =	sand.u32 $0x3FFFFFC0, s26  }
0x43: {  	v19 =	vld [tilespmem:s26+$0x8000]  }
0x44: {  	s28 =	smul.u32 $0x3200, s25;
	v18 =	vld [tilespmem:s26+$0x8010]  }
0x45: {  	v17 =	vld [tilespmem:s26+$0x8020]  }
0x46: {  	v0 =	vld [tilespmem:s26+$0x8030];
	s30 =	sshra.s32 s28, $0x2  }
0x47: {  	v2 =	vld [tilespmem:s30+$0x1C00]  }
0x48: {  	v21 =	vld [tilespmem:s30+$0x1C10]  }
0x49: {  	v24 =	vld [tilespmem:s30+$0x1C20]  }
0x4a: {  	v25 =	vld [tilespmem:s30+$0x1C30]  }
0x4b: {  	v27 =	vld [tilespmem:s30+$0x1C40]  }
0x4c: {  	v28 =	vld [tilespmem:s30+$0x1C50]  }
0x4d: {  	v29 =	vld [tilespmem:s30+$0x1C60]  }
0x4e: {  	v30 =	vld [tilespmem:s30+$0x1C70]  }
0x4f: {  	v32 =	vld [tilespmem:s30+$0x1C80]  }
0x50: {  	v33 =	vld [tilespmem:s30+$0x1C90]  }
0x51: {  	v35 =	vld [tilespmem:s30+$0x1CA0]  }
0x52: {  	v36 =	vld [tilespmem:s30+$0x1CB0]  }
0x53: {  	v37 =	vld [tilespmem:s30+$0x1CC0]  }
0x54: {  	v40 =	vld [tilespmem:s30+$0x1CD0]  }
0x55: {  	v41 =	vld [tilespmem:s30+$0x1CE0]  }
0x56: {  	v42 =	vld [tilespmem:s30+$0x1CF0]  }
0x57: {  	v45 =	vld [tilespmem:s30+$0x1D00]  }
0x58: {  	v46 =	vld [tilespmem:s30+$0x1D10]  }
0x59: {  	v49 =	vld [tilespmem:s30+$0x1D20]  }
0x5a: {  	v50 =	vld [tilespmem:s30+$0x1D30]  }
0x5b: {  	v51 =	vld [tilespmem:s30+$0x1D40]  }
0x5c: {  	v52 =	vld [tilespmem:s30+$0x1D50]  }
0x5d: {  	v53 =	vld [tilespmem:s30+$0x1D60]  }
0x5e: {  	v54 =	vld [tilespmem:s30+$0x1D70]  }
0x5f: {  	v56 =	vld [tilespmem:s30+$0x1D80]  }
0x60: {  	v57 =	vld [tilespmem:s30+$0x1D90]  }
0x61: {  	v59 =	vld [tilespmem:s30+$0x1DA0]  }
0x62: {  	v4 =	vld [tilespmem:s30+$0x1DB0]  }
0x63: {  	v5 =	vld [tilespmem:s30+$0x1DC0]  }
0x64: {  	v6 =	vld [tilespmem:s30+$0x1DD0]  }
0x65: {  	v7 =	vld [tilespmem:s30+$0x1DE0]  }
0x66: {  	v8 =	vld [tilespmem:s30+$0x1DF0]  }
0x67: {  	v9 =	vld [tilespmem:s30+$0x1E00]  }
0x68: {  	v10 =	vld [tilespmem:s30+$0x1E10]  }
0x69: {  	v11 =	vld [tilespmem:s30+$0x1E20]  }
0x6a: {  	v12 =	vld [tilespmem:s30+$0x1E30]  }
0x6b: {  	v13 =	vld [tilespmem:s30+$0x1E40]  }
0x6c: {  	v60 =	vld [tilespmem:s30+$0x1E50]  }
0x6d: {  	v61 =	vld [tilespmem:s30+$0x1E60]  }
0x6e: {  	v3 =	vld [tilespmem:s30+$0x1E70]  }
0x6f: {  	[tilespmem:$0x1FFF0] =	vst v0;
	v0 =	vld [tilespmem:s30+$0x1F60]  }
0x70: {  	v62 =	vld [tilespmem:s30+$0x1E80]  }
0x71: {  	v63 =	vld [tilespmem:s30+$0x1E90]  }
0x72: {  	v58 =	vld [tilespmem:s30+$0x1EA0];
	v14 =	vperm.xlane v19, v16  }
0x73: {  	v1 =	vld [tilespmem:s30+$0x1F80]  }
0x74: {  	v55 =	vld [tilespmem:s30+$0x1EB0];
	v15 =	vmul.f32 v21, v14;
	[tilespmem:$0x1FFD0] =	vst v0;
	v0 =	vperm.xlane v19, v20  }
0x75: {  	v48 =	vld [tilespmem:s30+$0x1EC0];
	v2 =	vmul.f32 v2, v14  }
0x76: {  	v47 =	vld [tilespmem:s30+$0x1ED0];
	v15 =	vadd.f32 $0.0e+00, v15;
	v28 =	vmul.f32 v28, v0  }
0x77: {  	v43 =	vld [tilespmem:s30+$0x1EE0];
	v24 =	vmul.f32 v24, v14;
	v25 =	vmul.f32 v25, v14;
	v2 =	vadd.f32 $0.0e+00, v2  }
0x78: {  	v44 =	vld [tilespmem:s30+$0x1EF0];
	[tilespmem:$0x1FFE0] =	vst v1;
	v1 =	vmul.f32 v27, v0;
	v15 =	vadd.f32 v28, v15;
	v28 =	vimm.s32 $0x2  }
0x79: {  	v38 =	vld [tilespmem:s30+$0x1F00];
	v24 =	vadd.f32 $0.0e+00, v24;
	v14 =	vmul.f32 v29, v0;
	v28 =	vperm.xlane v19, v28  }
0x7a: {  	v39 =	vld [tilespmem:s30+$0x1F10];
	v25 =	vadd.f32 $0.0e+00, v25;
	v0 =	vmul.f32 v30, v0  }
0x7b: {  	v34 =	vld [tilespmem:s30+$0x1F20];
	v2 =	vadd.f32 v1, v2;
	v1 =	vadd.f32 v14, v24;
	v32 =	vmul.f32 v32, v28  }
0x7c: {  	v31 =	vld [tilespmem:s30+$0x1F30];
	v33 =	vmul.f32 v33, v28;
	v24 =	vmul.f32 v35, v28;
	v35 =	vimm.s32 $0x3  }
0x7d: {  	v26 =	vld [tilespmem:s30+$0x1F40];
	v0 =	vadd.f32 v0, v25;
	v35 =	vperm.xlane v19, v35;
	v2 =	vadd.f32 v32, v2  }
0x7e: {  	v22 =	vld [tilespmem:s30+$0x1F50];
	v28 =	vmul.f32 v36, v28;
	v15 =	vadd.f32 v33, v15;
	v1 =	vadd.f32 v24, v1  }
0x7f: {  	v23 =	vld [tilespmem:s30+$0x1F70];
	v36 =	vmul.f32 v37, v35;
	v37 =	vmul.f32 v40, v35;
	v40 =	vimm.s32 $0x4  }
0x80: {  	v16 =	vld [tilespmem:s30+$0x1FA0];
	v25 =	vadd.f32 v28, v0;
	v24 =	vmul.f32 v41, v35;
	v0 =	vperm.xlane v19, v40  }
0x81: {  	v21 =	vld [tilespmem:s30+$0x1FB0];
	v35 =	vmul.f32 v42, v35;
	v2 =	vadd.f32 v36, v2;
	v15 =	vadd.f32 v37, v15  }
0x82: {  	v20 =	vld [tilespmem:s30+$0x1FC0];
	v28 =	vmul.f32 v45, v0;
	v42 =	vmul.f32 v46, v0;
	v46 =	vimm.s32 $0x5  }
0x83: {  	v27 =	vld [tilespmem:s30+$0x1F90];
	v1 =	vadd.f32 v24, v1;
	v24 =	vmul.f32 v49, v0;
	v49 =	vperm.xlane v19, v46  }
0x84: {  	v29 =	vld [tilespmem:s30+$0x1FD0];
	v25 =	vadd.f32 v35, v25;
	v0 =	vmul.f32 v50, v0;
	v2 =	vadd.f32 v28, v2  }
0x85: {  	v30 =	vld [tilespmem:s30+$0x1FE0];
	v15 =	vadd.f32 v42, v15;
	v1 =	vadd.f32 v24, v1;
	v50 =	vmul.f32 v51, v49  }
0x86: {  	v14 =	vld [tilespmem:s30+$0x2010];
	v51 =	vmul.f32 v52, v49;
	v52 =	vimm.s32 $0x6;
	v24 =	vmul.f32 v53, v49  }
0x87: {  	v32 =	vld [tilespmem:s30+$0x1FF0];
	v0 =	vadd.f32 v0, v25;
	v28 =	vperm.xlane v19, v52;
	v2 =	vadd.f32 v50, v2  }
0x88: {  	v33 =	vld [tilespmem:s30+$0x2000];
	v35 =	vmul.f32 v54, v49;
	v15 =	vadd.f32 v51, v15;
	v1 =	vadd.f32 v24, v1  }
0x89: {  	v41 =	vld [tilespmem:s30+$0x2050];
	v25 =	vmul.f32 v56, v28;
	v51 =	vmul.f32 v57, v28;
	v56 =	vimm.s32 $0x7  }
0x8a: {  	v40 =	vld [tilespmem:s30+$0x2020];
	v0 =	vadd.f32 v35, v0;
	v59 =	vmul.f32 v59, v28;
	v57 =	vperm.xlane v19, v56  }
0x8b: {  	v36 =	vld [tilespmem:s30+$0x2030];
	v24 =	vimm.s32 $0x8;
	v4 =	vmul.f32 v4, v28;
	v2 =	vadd.f32 v25, v2  }
0x8c: {  	v37 =	vld [tilespmem:s30+$0x2040];
	v15 =	vadd.f32 v51, v15;
	v1 =	vadd.f32 v59, v1;
	v5 =	vmul.f32 v5, v57  }
0x8d: {  	v45 =	vld [tilespmem:s30+$0x2070];
	v0 =	vadd.f32 v4, v0;
	v59 =	vmul.f32 v6, v57;
	v6 =	vperm.xlane v19, v24  }
0x8e: {  	v46 =	vld [tilespmem:s30+$0x2080];
	v25 =	vmul.f32 v7, v57;
	v7 =	vmul.f32 v8, v57;
	v2 =	vadd.f32 v5, v2  }
0x8f: {  	v42 =	vld [tilespmem:s30+$0x2060];
	v4 =	vadd.f32 v59, v15;
	v28 =	vmul.f32 v9, v6;
	v35 =	vmul.f32 v10, v6  }
0x90: {  	v49 =	vld [tilespmem:s30+$0x2090];
	v1 =	vadd.f32 v25, v1;
	v24 =	vmul.f32 v11, v6;
	v25 =	vimm.s32 $0x9  }
0x91: {  	v53 =	vld [tilespmem:s30+$0x20D0];
	v0 =	vadd.f32 v7, v0;
	v6 =	vmul.f32 v12, v6;
	v10 =	vperm.xlane v19, v25  }
0x92: {  	v54 =	vld [tilespmem:s30+$0x20E0];
	v28 =	vadd.f32 v28, v2;
	v4 =	vadd.f32 v35, v4  }
0x93: {  	v52 =	vld [tilespmem:s30+$0x20A0];
	v1 =	vadd.f32 v24, v1;
	v0 =	vadd.f32 v6, v0;
	v35 =	vmul.f32 v13, v10  }
0x94: {  	v50 =	vld [tilespmem:s30+$0x20B0];
	v12 =	vmul.f32 v60, v10;
	v13 =	vimm.s32 $0xA;
	v24 =	vmul.f32 v61, v10  }
0x95: {  	v56 =	vld [tilespmem:s30+$0x20F0];
	v3 =	vmul.f32 v3, v10;
	v8 =	vperm.xlane v19, v13;
	v5 =	vadd.f32 v35, v28  }
0x96: {  	v51 =	vld [tilespmem:s30+$0x20C0];
	v4 =	vadd.f32 v12, v4;
	v1 =	vadd.f32 v24, v1  }
0x97: {  	v57 =	vld [tilespmem:s30+$0x2100];
	v0 =	vadd.f32 v3, v0;
	v25 =	vmul.f32 v62, v8;
	v28 =	vmul.f32 v63, v8  }
0x98: {  	v59 =	vld [tilespmem:s30+$0x2110];
	v63 =	vimm.s32 $0xB;
	v35 =	vmul.f32 v58, v8;
	v13 =	vmul.f32 v55, v8  }
0x99: {  	v9 =	vld [tilespmem:s30+$0x2190];
	v12 =	vperm.xlane v19, v63;
	v5 =	vadd.f32 v25, v5;
	v4 =	vadd.f32 v28, v4  }
0x9a: {  	v11 =	vld [tilespmem:s30+$0x21A0];
	v55 =	vimm.s32 $0xE;
	v1 =	vadd.f32 v35, v1;
	v0 =	vadd.f32 v13, v0  }
0x9b: {  	v2 =	vld [tilespmem:s30+$0x2120];
	v24 =	vmul.f32 v48, v12;
	v25 =	vmul.f32 v47, v12;
	v47 =	vimm.s32 $0xC  }
0x9c: {  	v60 =	vld [tilespmem:s30+$0x2130];
	v10 =	vmul.f32 v44, v12;
	v44 =	vimm.s32 $0xD;
	v28 =	vperm.xlane v19, v47  }
0x9d: {  	v61 =	vld [tilespmem:s30+$0x2140];
	v35 =	vmul.f32 v43, v12;
	v15 =	vperm.xlane v19, v44;
	v5 =	vadd.f32 v24, v5  }
0x9e: {  	v3 =	vld [tilespmem:s30+$0x2170];
	v4 =	vadd.f32 v25, v4;
	v38 =	vmul.f32 v38, v28;
	v39 =	vmul.f32 v39, v28  }
0x9f: {  	v1 =	vadd.f32 v35, v1;
	v35 =	vld [tilespmem:$0x1FFD0];
	v43 =	vmul.f32 v34, v28;
	v25 =	vmul.f32 v31, v28  }
0xa0: {  	v62 =	vld [tilespmem:s30+$0x2150];
	v0 =	vadd.f32 v10, v0;
	v28 =	vmul.f32 v26, v15;
	v34 =	vperm.xlane v19, v55  }
0xa1: {  	v58 =	vld [tilespmem:s30+$0x2160];
	v31 =	vmul.f32 v22, v15;
	v5 =	vadd.f32 v38, v5;
	v4 =	vadd.f32 v39, v4  }
0xa2: {  	v8 =	vld [tilespmem:s30+$0x21D0];
	v1 =	vadd.f32 v43, v1;
	v43 =	vmul.f32 v16, v34;
	v16 =	vimm.s32 $0xF  }
0xa3: {  	v0 =	vadd.f32 v25, v0;
	v38 =	vld [tilespmem:$0x1FFE0];
	v39 =	vmul.f32 v27, v34;
	v16 =	vperm.xlane v19, v16  }
0xa4: {  	v13 =	vld [tilespmem:s30+$0x21B0];
	v27 =	vmul.f32 v21, v34;
	v5 =	vadd.f32 v28, v5;
	v7 =	vmul.f32 v35, v15  }
0xa5: {  	v48 =	vld [tilespmem:s30+$0x2180];
	v15 =	vmul.f32 v23, v15;
	v4 =	vadd.f32 v31, v4;
	v28 =	vmul.f32 v20, v16  }
0xa6: {  	v12 =	vld [tilespmem:s30+$0x2230];
	v29 =	vmul.f32 v29, v16;
	v20 =	vimm.s32 $0x0;
	v31 =	vmul.f32 v30, v16  }
0xa7: {  	v24 =	vld [tilespmem:s30+$0x21C0];
	v16 =	vmul.f32 v32, v16;
	v1 =	vadd.f32 v7, v1;
	v20 =	vperm.xlane v18, v20  }
0xa8: {  	v10 =	vld [tilespmem:s30+$0x21E0];
	v0 =	vadd.f32 v15, v0;
	v4 =	vadd.f32 v39, v4;
	v6 =	vmul.f32 v38, v34  }
0xa9: {  	v22 =	vld [tilespmem:s30+$0x21F0];
	v38 =	vimm.s32 $0x1;
	v1 =	vadd.f32 v43, v1;
	v34 =	vmul.f32 v33, v20  }
0xaa: {  	v26 =	vld [tilespmem:s30+$0x2210];
	v0 =	vadd.f32 v27, v0;
	v14 =	vmul.f32 v14, v20;
	v35 =	vmul.f32 v40, v20  }
0xab: {  	v21 =	vld [tilespmem:s30+$0x2250];
	v39 =	vmul.f32 v36, v20;
	v20 =	vimm.s32 $0x2;
	v5 =	vadd.f32 v6, v5  }
0xac: {  	v25 =	vld [tilespmem:s30+$0x2260];
	v4 =	vadd.f32 v29, v4;
	v20 =	vperm.xlane v18, v20;
	v1 =	vadd.f32 v31, v1  }
0xad: {  	v19 =	vld [tilespmem:s30+$0x2220];
	v0 =	vadd.f32 v16, v0;
	v5 =	vadd.f32 v28, v5;
	v28 =	vperm.xlane v18, v38  }
0xae: {  	v23 =	vld [tilespmem:s30+$0x2200];
	v4 =	vadd.f32 v14, v4;
	v43 =	vmul.f32 v46, v20;
	v46 =	vmul.f32 v52, v20  }
0xaf: {  	v30 =	vld [tilespmem:s30+$0x22B0];
	v1 =	vadd.f32 v35, v1;
	v0 =	vadd.f32 v39, v0;
	v40 =	vmul.f32 v37, v28  }
0xb0: {  	v15 =	vld [tilespmem:s30+$0x2240];
	v5 =	vadd.f32 v34, v5;
	v41 =	vmul.f32 v41, v28;
	v42 =	vmul.f32 v42, v28  }
0xb1: {  	v27 =	vld [tilespmem:s30+$0x2270];
	v28 =	vmul.f32 v45, v28;
	v45 =	vmul.f32 v49, v20;
	v49 =	vimm.s32 $0x3  }
0xb2: {  	v29 =	vld [tilespmem:s30+$0x2280];
	v34 =	vperm.xlane v18, v49;
	v5 =	vadd.f32 v40, v5;
	v4 =	vadd.f32 v41, v4  }
0xb3: {  	v33 =	vld [tilespmem:s30+$0x22D0];
	v50 =	vmul.f32 v50, v20;
	v1 =	vadd.f32 v42, v1;
	v0 =	vadd.f32 v28, v0  }
0xb4: {  	v36 =	vld [tilespmem:s30+$0x2310];
	v51 =	vmul.f32 v51, v34;
	v52 =	vmul.f32 v53, v34;
	v53 =	vimm.s32 $0x4  }
0xb5: {  	v6 =	vld [tilespmem:s30+$0x23B0];
	v54 =	vmul.f32 v54, v34;
	v34 =	vmul.f32 v56, v34;
	v5 =	vadd.f32 v43, v5  }
0xb6: {  	v16 =	vld [tilespmem:s30+$0x2290];
	v56 =	vimm.s32 $0x7;
	v4 =	vadd.f32 v45, v4;
	v1 =	vadd.f32 v46, v1  }
0xb7: {  	v14 =	vld [tilespmem:s30+$0x22A0];
	v0 =	vadd.f32 v50, v0;
	v32 =	vperm.xlane v18, v53;
	v45 =	vimm.s32 $0x5  }
0xb8: {  	v31 =	vld [tilespmem:s30+$0x22C0];
	v7 =	vperm.xlane v18, v45;
	v5 =	vadd.f32 v51, v5;
	v4 =	vadd.f32 v52, v4  }
0xb9: {  	v35 =	vld [tilespmem:s30+$0x22E0];
	v57 =	vmul.f32 v57, v32;
	v59 =	vmul.f32 v59, v32;
	v1 =	vadd.f32 v54, v1  }
0xba: {  	v39 =	vld [tilespmem:s30+$0x2330];
	v2 =	vmul.f32 v2, v32;
	v0 =	vadd.f32 v34, v0;
	v46 =	vmul.f32 v60, v32  }
0xbb: {  	v20 =	vld [tilespmem:s30+$0x22F0];
	v51 =	vimm.s32 $0x6;
	v49 =	vmul.f32 v61, v7;
	v50 =	vmul.f32 v62, v7  }
0xbc: {  	v37 =	vld [tilespmem:s30+$0x2320];
	v60 =	vimm.s32 $0x8;
	v38 =	vperm.xlane v18, v51;
	v52 =	vmul.f32 v58, v7  }
0xbd: {  	v28 =	vld [tilespmem:s30+$0x2300];
	v3 =	vmul.f32 v3, v7;
	v5 =	vadd.f32 v57, v5;
	v4 =	vadd.f32 v59, v4  }
0xbe: {  	v40 =	vld [tilespmem:s30+$0x2340];
	v1 =	vadd.f32 v2, v1;
	v53 =	vmul.f32 v48, v38;
	v9 =	vmul.f32 v9, v38  }
0xbf: {  	v41 =	vld [tilespmem:s30+$0x2370];
	v0 =	vadd.f32 v46, v0;
	v54 =	vmul.f32 v11, v38;
	v11 =	vperm.xlane v18, v56  }
0xc0: {  	v42 =	vld [tilespmem:s30+$0x2390];
	v57 =	vmul.f32 v13, v38;
	v2 =	vadd.f32 v49, v5;
	v4 =	vadd.f32 v50, v4  }
0xc1: {  	v43 =	vld [tilespmem:s30+$0x23A0];
	v1 =	vadd.f32 v52, v1;
	v0 =	vadd.f32 v3, v0;
	v58 =	vmul.f32 v24, v11  }
0xc2: {  	v32 =	vld [tilespmem:s30+$0x2350];
	v50 =	vimm.s32 $0xA;
	v59 =	vmul.f32 v8, v11;
	v8 =	vperm.xlane v18, v60  }
0xc3: {  	v34 =	vld [tilespmem:s30+$0x2360];
	v61 =	vmul.f32 v10, v11;
	v62 =	vmul.f32 v22, v11;
	v2 =	vadd.f32 v53, v2  }
0xc4: {  	v7 =	vld [tilespmem:s30+$0x2380];
	v4 =	vadd.f32 v9, v4;
	v1 =	vadd.f32 v54, v1;
	v54 =	vperm.xlane v18, v63  }
0xc5: {  	v13 =	vld [tilespmem:s30+$0x23D0];
	v0 =	vadd.f32 v57, v0;
	v38 =	vmul.f32 v23, v8;
	v22 =	vmul.f32 v26, v8  }
0xc6: {  	v11 =	vld [tilespmem:s30+$0x23E0];
	v45 =	vmul.f32 v19, v8;
	v19 =	vimm.s32 $0x9;
	v46 =	vmul.f32 v12, v8  }
0xc7: {  	v24 =	vld [tilespmem:s30+$0x2400];
	v12 =	vperm.xlane v18, v50;
	v50 =	vimm.s32 $0x0;
	v19 =	vperm.xlane v18, v19  }
0xc8: {  	v10 =	vld [tilespmem:s30+$0x2420];
	v2 =	vadd.f32 v58, v2;
	v57 =	vmul.f32 v31, v54;
	v58 =	vmul.f32 v33, v54  }
0xc9: {  	v9 =	vld [tilespmem:s30+$0x23C0];
	v3 =	vadd.f32 v59, v4;
	v59 =	vmul.f32 v35, v54;
	v33 =	vperm.xlane v18, v44  }
0xca: {  	v23 =	vld [tilespmem:s30+$0x23F0];
	v1 =	vadd.f32 v61, v1;
	v52 =	vmul.f32 v29, v12;
	v16 =	vmul.f32 v16, v12  }
0xcb: {  	v8 =	vld [tilespmem:s30+$0x2410];
	v0 =	vadd.f32 v62, v0;
	v53 =	vmul.f32 v14, v12;
	v56 =	vmul.f32 v30, v12  }
0xcc: {  	v26 =	vld [tilespmem:s30+$0x2490];
	v14 =	vmul.f32 v20, v54;
	v2 =	vadd.f32 v38, v2;
	v3 =	vadd.f32 v22, v3  }
0xcd: {  	v31 =	vld [tilespmem:s30+$0x24F0];
	v1 =	vadd.f32 v45, v1;
	v48 =	vmul.f32 v15, v19;
	v49 =	vmul.f32 v21, v19  }
0xce: {  	v12 =	vld [tilespmem:s30+$0x2470];
	v0 =	vadd.f32 v46, v0;
	v51 =	vmul.f32 v25, v19;
	v19 =	vmul.f32 v27, v19  }
0xcf: {  	v20 =	vld [tilespmem:s30+$0x24A0];
	v38 =	vperm.xlane v18, v55;
	v29 =	vmul.f32 v41, v33;
	v45 =	vimm.s32 $0x2  }
0xd0: {  	v30 =	vld [tilespmem:s30+$0x24C0];
	v2 =	vadd.f32 v48, v2;
	v0 =	vadd.f32 v19, v0;
	v19 =	vperm.xlane v18, v47  }
0xd1: {  	v15 =	vld [tilespmem:s30+$0x2430];
	v41 =	vmul.f32 v42, v38;
	v42 =	vmul.f32 v43, v38;
	v43 =	vimm.s32 $0xF  }
0xd2: {  	v21 =	vld [tilespmem:s30+$0x2440];
	v3 =	vadd.f32 v49, v3;
	v46 =	vmul.f32 v6, v38;
	v18 =	vperm.xlane v18, v43  }
0xd3: {  	v22 =	vld [tilespmem:s30+$0x2450];
	v1 =	vadd.f32 v51, v1;
	v60 =	vmul.f32 v28, v19;
	v61 =	vmul.f32 v36, v19  }
0xd4: {  	v25 =	vld [tilespmem:s30+$0x2460];
	v2 =	vadd.f32 v52, v2;
	v62 =	vmul.f32 v37, v19;
	v35 =	vmul.f32 v39, v19  }
0xd5: {  	v6 =	vld [tilespmem:s30+$0x2530];
	v3 =	vadd.f32 v16, v3;
	v36 =	vmul.f32 v40, v33;
	v37 =	vmul.f32 v32, v33  }
0xd6: {  	v1 =	vadd.f32 v53, v1;
	v16 =	vld [tilespmem:s30+$0x2480];
	v39 =	vmul.f32 v34, v33;
	v40 =	vmul.f32 v7, v38  }
0xd7: {  	v0 =	vadd.f32 v56, v0;
	v28 =	vld [tilespmem:s30+$0x24B0];
	v48 =	vmul.f32 v9, v18;
	v49 =	vmul.f32 v13, v18  }
0xd8: {  	v19 =	vld [tilespmem:s30+$0x24E0];
	v56 =	vimm.s32 $0x1;
	v9 =	vperm.xlane v17, v50;
	v51 =	vmul.f32 v11, v18  }
0xd9: {  	v32 =	vld [tilespmem:s30+$0x2500];
	v52 =	vmul.f32 v23, v18;
	v2 =	vadd.f32 v57, v2;
	v3 =	vadd.f32 v58, v3  }
0xda: {  	v33 =	vld [tilespmem:s30+$0x2510];
	v1 =	vadd.f32 v59, v1;
	v53 =	vmul.f32 v24, v9;
	v8 =	vmul.f32 v8, v9  }
0xdb: {  	v34 =	vld [tilespmem:s30+$0x2520];
	v0 =	vadd.f32 v14, v0;
	v54 =	vmul.f32 v10, v9;
	v10 =	vperm.xlane v17, v56  }
0xdc: {  	v7 =	vld [tilespmem:s30+$0x2540];
	v57 =	vmul.f32 v15, v9;
	v2 =	vadd.f32 v60, v2;
	v3 =	vadd.f32 v61, v3  }
0xdd: {  	v13 =	vld [tilespmem:s30+$0x2550];
	v1 =	vadd.f32 v62, v1;
	v0 =	vadd.f32 v35, v0;
	v60 =	vperm.xlane v17, v45  }
0xde: {  	v18 =	vld [tilespmem:s30+$0x2560];
	v61 =	vimm.s32 $0x5;
	v62 =	vimm.s32 $0x4;
	v58 =	vmul.f32 v21, v10  }
0xdf: {  	v14 =	vld [tilespmem:s30+$0x24D0];
	v59 =	vmul.f32 v22, v10;
	v22 =	vimm.s32 $0x3;
	v25 =	vmul.f32 v25, v10  }
0xe0: {  	v23 =	vld [tilespmem:s30+$0x2570];
	v10 =	vmul.f32 v12, v10;
	v2 =	vadd.f32 v36, v2;
	v3 =	vadd.f32 v37, v3  }
0xe1: {  	v11 =	vld [tilespmem:s30+$0x2600];
	v1 =	vadd.f32 v39, v1;
	v36 =	vmul.f32 v16, v60;
	v16 =	vmul.f32 v26, v60  }
0xe2: {  	v50 =	vld [tilespmem:s30+$0x2640];
	v0 =	vadd.f32 v29, v0;
	v37 =	vmul.f32 v20, v60;
	v20 =	vperm.xlane v17, v22  }
0xe3: {  	v24 =	vld [tilespmem:s30+$0x2580];
	v38 =	vmul.f32 v28, v60;
	v2 =	vadd.f32 v40, v2;
	v3 =	vadd.f32 v41, v3  }
0xe4: {  	v9 =	vld [tilespmem:s30+$0x2590];
	v1 =	vadd.f32 v42, v1;
	v39 =	vmul.f32 v30, v20;
	v40 =	vmul.f32 v14, v20  }
0xe5: {  	v15 =	vld [tilespmem:s30+$0x25B0];
	v0 =	vadd.f32 v46, v0;
	v41 =	vperm.xlane v17, v62;
	v42 =	vmul.f32 v19, v20  }
0xe6: {  	v35 =	vld [tilespmem:s30+$0x25C0];
	v19 =	vmul.f32 v31, v20;
	v31 =	vimm.s32 $0x8;
	v2 =	vadd.f32 v48, v2  }
0xe7: {  	v21 =	vld [tilespmem:s30+$0x25D0];
	v3 =	vadd.f32 v49, v3;
	v1 =	vadd.f32 v51, v1;
	v43 =	vmul.f32 v32, v41  }
0xe8: {  	v22 =	vld [tilespmem:s30+$0x25E0];
	v0 =	vadd.f32 v52, v0;
	v45 =	vmul.f32 v33, v41;
	v48 =	vmul.f32 v34, v41  }
0xe9: {  	v60 =	vld [tilespmem:s30+$0x2670];
	v49 =	vperm.xlane v17, v61;
	v2 =	vadd.f32 v53, v2;
	v3 =	vadd.f32 v8, v3  }
0xea: {  	v20 =	vld [tilespmem:s30+$0x2620];
	v51 =	vmul.f32 v6, v41;
	v1 =	vadd.f32 v54, v1;
	v0 =	vadd.f32 v57, v0  }
0xeb: {  	v46 =	vld [tilespmem:s30+$0x2630];
	v53 =	vimm.s32 $0x7;
	v54 =	vimm.s32 $0x6;
	v56 =	vmul.f32 v7, v49  }
0xec: {  	v52 =	vld [tilespmem:s30+$0x2650];
	v61 =	vmul.f32 v18, v49;
	v18 =	vmul.f32 v23, v49;
	v2 =	vadd.f32 v58, v2  }
0xed: {  	v32 =	vld [tilespmem:s30+$0x26A0];
	v30 =	vperm.xlane v17, v53;
	v3 =	vadd.f32 v59, v3;
	v1 =	vadd.f32 v25, v1  }
0xee: {  	v8 =	vld [tilespmem:s30+$0x25A0];
	v0 =	vadd.f32 v10, v0;
	v58 =	vmul.f32 v13, v49;
	v59 =	vperm.xlane v17, v54  }
0xef: {  	v34 =	vld [tilespmem:s30+$0x26B0];
	v35 =	vmul.f32 v35, v30;
	v2 =	vadd.f32 v36, v2;
	v3 =	vadd.f32 v16, v3  }
0xf0: {  	v10 =	vld [tilespmem:s30+$0x25F0];
	v1 =	vadd.f32 v37, v1;
	v62 =	vmul.f32 v24, v59;
	v9 =	vmul.f32 v9, v59  }
0xf1: {  	v57 =	vld [tilespmem:s30+$0x2660];
	v0 =	vadd.f32 v38, v0;
	v33 =	vmul.f32 v15, v59;
	v37 =	vmul.f32 v21, v30  }
0xf2: {  	v23 =	vld [tilespmem:s30+$0x2690];
	v38 =	vperm.xlane v17, v31;
	v21 =	vimm.s32 $0xA;
	v24 =	vperm.xlane v17, v47  }
0xf3: {  	v49 =	vld [tilespmem:s30+$0x2720];
	v29 =	vmul.f32 v8, v59;
	v2 =	vadd.f32 v39, v2;
	v3 =	vadd.f32 v40, v3  }
0xf4: {  	v16 =	vld [tilespmem:s30+$0x2610];
	v1 =	vadd.f32 v42, v1;
	v39 =	vmul.f32 v22, v30;
	v41 =	vmul.f32 v11, v38  }
0xf5: {  	v25 =	vld [tilespmem:s30+$0x2790];
	v0 =	vadd.f32 v19, v0;
	v8 =	vmul.f32 v10, v30;
	v30 =	vperm.xlane v17, v44  }
0xf6: {  	v36 =	vld [tilespmem:s30+$0x26C0];
	v44 =	vimm.s32 $0xF;
	v2 =	vadd.f32 v43, v2;
	v3 =	vadd.f32 v45, v3  }
0xf7: {  	v15 =	vld [tilespmem:s30+$0x26D0];
	v1 =	vadd.f32 v48, v1;
	v43 =	vmul.f32 v20, v38;
	v45 =	vmul.f32 v46, v38  }
0xf8: {  	v40 =	vld [tilespmem:s30+$0x26E0];
	v0 =	vadd.f32 v51, v0;
	v51 =	vperm.xlane v17, v21;
	v21 =	vperm.xlane v17, v63  }
0xf9: {  	v22 =	vld [tilespmem:s30+$0x2760];
	v14 =	vperm.xlane v17, v44;
	v42 =	vmul.f32 v16, v38  }
0xfa: {  	v19 =	vld [tilespmem:s30+$0x2680];
	v3 =	vadd.f32 v58, v3;
	v1 =	vadd.f32 v61, v1;
	v58 =	vmul.f32 v32, v51  }
0xfb: {  	v20 =	vld [tilespmem:s30+$0x2700];
	v0 =	vadd.f32 v18, v0;
	v59 =	vmul.f32 v34, v51;
	v61 =	vmul.f32 v36, v21  }
0xfc: {  	v46 =	vld [tilespmem:s30+$0x2710];
	v18 =	vimm.s32 $0x9;
	v63 =	vmul.f32 v15, v21;
	v36 =	vperm.xlane v17, v55  }
0xfd: {  	v16 =	vld [tilespmem:s30+$0x26F0];
	v2 =	vadd.f32 v56, v2;
	v18 =	vperm.xlane v17, v18;
	v26 =	vmul.f32 v40, v21  }
0xfe: {  	v56 =	vld [tilespmem:s30+$0x2740];
	v38 =	vmul.f32 v22, v30;
	v1 =	vadd.f32 v29, v1;
	v29 =	vmul.f32 v49, v24  }
0xff: {  	v15 =	vld [tilespmem:s30+$0x27A0];
	v2 =	vadd.f32 v62, v2;
	v48 =	vmul.f32 v50, v18;
	v50 =	vmul.f32 v52, v18  }
0x100: {  	v32 =	vld [tilespmem:s30+$0x27D0];
	v3 =	vadd.f32 v9, v3;
	v53 =	vmul.f32 v57, v18;
	v54 =	vmul.f32 v60, v18  }
0x101: {  	v17 =	vld [tilespmem:$0x1FFF0];
	v0 =	vadd.f32 v33, v0;
	v57 =	vmul.f32 v19, v51;
	v18 =	vmul.f32 v23, v51  }
0x102: {  	v62 =	vld [tilespmem:s30+$0x2780];
	v28 =	vmul.f32 v20, v24;
	v20 =	vimm.s32 $0x1;
	v2 =	vadd.f32 v35, v2  }
0x103: {  	v52 =	vld [tilespmem:s30+$0x2730];
	v3 =	vadd.f32 v37, v3;
	v1 =	vadd.f32 v39, v1;
	v27 =	vmul.f32 v16, v21  }
0x104: {  	v19 =	vld [tilespmem:s30+$0x2750];
	v0 =	vadd.f32 v8, v0;
	v8 =	vmul.f32 v46, v24;
	v33 =	vmul.f32 v56, v30  }
0x105: {  	v60 =	vld [tilespmem:s30+$0x2770];
	v49 =	vmul.f32 v32, v14;
	v2 =	vadd.f32 v41, v2;
	v3 =	vadd.f32 v42, v3  }
0x106: {  	v34 =	vld [tilespmem:s30+$0x27E0];
	v1 =	vadd.f32 v43, v1;
	v0 =	vadd.f32 v45, v0;
	v41 =	vmul.f32 v25, v36  }
0x107: {  	v16 =	vld [tilespmem:s30+$0x27B0];
	v43 =	vmul.f32 v15, v36;
	v56 =	vperm.xlane v17, v20;
	v2 =	vadd.f32 v48, v2  }
0x108: {  	v40 =	vmul.f32 v62, v36;
	v3 =	vadd.f32 v50, v3;
	v1 =	vadd.f32 v53, v1  }
0x109: {  	v0 =	vadd.f32 v54, v0;
	v31 =	vmul.f32 v52, v24;
	v2 =	vadd.f32 v57, v2  }
0x10a: {  	v37 =	vld [tilespmem:s30+$0x27F0];
	v35 =	vmul.f32 v19, v30;
	v6 =	vmul.f32 v60, v30;
	v3 =	vadd.f32 v18, v3  }
0x10b: {  	v39 =	vld [tilespmem:s30+$0x2800];
	v52 =	vmul.f32 v34, v14;
	v1 =	vadd.f32 v58, v1;
	v2 =	vadd.f32 v61, v2  }
0x10c: {  	v45 =	vmul.f32 v16, v36;
	v0 =	vadd.f32 v59, v0;
	v18 =	vld [tilespmem:s30+$0x27C0];
	v3 =	vadd.f32 v63, v3  }
0x10d: {  	v42 =	vld [tilespmem:s30+$0x2810];
	v16 =	vimm.s32 $0x0;
	v1 =	vadd.f32 v26, v1;
	v2 =	vadd.f32 v28, v2  }
0x10e: {  	v15 =	vld [tilespmem:s30+$0x2820];
	v50 =	vperm.xlane v17, v16;
	v0 =	vadd.f32 v27, v0;
	v3 =	vadd.f32 v8, v3  }
0x10f: {  	v46 =	vld [tilespmem:s30+$0x2830];
	v53 =	vmul.f32 v37, v14;
	v1 =	vadd.f32 v29, v1;
	v2 =	vadd.f32 v33, v2  }
0x110: {  	v48 =	vld [tilespmem:s30+$0x2840];
	v55 =	vmul.f32 v39, v50;
	v0 =	vadd.f32 v31, v0;
	v3 =	vadd.f32 v35, v3  }
0x111: {  	v51 =	vld [tilespmem:s30+$0x2850];
	v47 =	vmul.f32 v18, v14;
	v1 =	vadd.f32 v38, v1;
	v2 =	vadd.f32 v40, v2  }
0x112: {  	v54 =	vld [tilespmem:s30+$0x2860];
	v58 =	vmul.f32 v42, v50;
	v0 =	vadd.f32 v6, v0;
	v3 =	vadd.f32 v41, v3  }
0x113: {  	v57 =	vld [tilespmem:s30+$0x2870];
	v59 =	vmul.f32 v15, v50;
	v1 =	vadd.f32 v43, v1;
	v2 =	vadd.f32 v47, v2  }
0x114: {  	v60 =	vmul.f32 v46, v50;
	v0 =	vadd.f32 v45, v0;
	v3 =	vadd.f32 v49, v3  }
0x115: {  	v7 =	vmul.f32 v48, v56;
	v1 =	vadd.f32 v52, v1;
	v2 =	vadd.f32 v55, v2  }
0x116: {  	s31 =	sadd.s32 s24, s25;
	v61 =	vmul.f32 v51, v56;
	v0 =	vadd.f32 v53, v0;
	v3 =	vadd.f32 v58, v3  }
0x117: {  	p0 =	sne.s32 s25, $0x7;
	s26 =	sshll.u32 s31, $0x6;
	v62 =	vmul.f32 v54, v56;
	v1 =	vadd.f32 v59, v1;
	v2 =	vadd.f32 v7, v2  }
.Ltmp0:
0x118: {  	s26 =	sand.u32 $0x3FFFFFC0, s26;
	v63 =	vmul.f32 v57, v56;
	v0 =	vadd.f32 v60, v0;
	v3 =	vadd.f32 v61, v3;
	(pc) =	sbr.rel @p0 .LBB2_3-.Ltmp0, $4  }
0x119: {  	v1 =	vadd.f32 v62, v1;
	[tilespmem:s26+$0x8200] =	vst v2  }
0x11a: {  	v0 =	vadd.f32 v63, v0;
	[tilespmem:s26+$0x8210] =	vst v3  }
0x11b: {  	[tilespmem:s26+$0x8220] =	vst v1  }
0x11c: {  	s25 =	sadd.s32 $0x1, s25;
	[tilespmem:s26+$0x8230] =	vst v0  }
0x11d: {  	s23 =	sadd.s32 $0x1, s23  }
0x11e: {  	p0 =	sne.s32 s23, $0x10  }
.Ltmp1:
0x11f: {  	_ = 	snop;
	(pc) =	sbr.rel @p0 .LBB2_2-.Ltmp1, $1  }
0x120: {  	_ =	sdelay $0x3  }
0x121: {  	s22 =	sadd.s32 $0x1, s22  }
0x122: {  	p0 =	sne.s32 s22, s8  }
.Ltmp2:
0x123: {  	_ = 	snop;
	(pc) =	sbr.rel @p0 .LBB2_1-.Ltmp2, $4  }
0x124: {  	[hbm4b:s7+s3] =	stream.linear.scatter [tilespmem:s21], [sflag:$0x2], $0x2000, $0x38;
	[tilespmem:$0xA200] =	vst v63  }
0x125: {  	_ =	swait.ge [sflag:s9], $0x2000  }
0x126: {  	[sflag:s9] =	ssyncset.done $0x0  }
0x127: {  	[sflag:s9] =	ssyncadd.s32 $0xFFFFE000  }
0x128: {  	_ =	sfence.sel $0x180000  }
0x129: {  	[bflag:$0x0] =	sbarrier.arrive $0xFFFF  }
0x12a: {  	p0 =	sne.s32 s0, $0x0;
	_ =	strace $0x90000047  }
0x12b: {  	s0 =	sadd.s32 @!p0 $0x100000, s1;
	[bflag:$0x2] =	sbarrier.arrive $0xFFFF  }
0x12c: {  	[sflag:s0] =	ssyncadd.tile.s32 @!p0 $0x1;
	_ =	shalt  }
.Lfunc_end2:
_tile_overlayer_lowered:
.L_overlay_start_2:
0x12d: {  	(tag) =	ssettag $0x2  }
0x12e: {  	s0 =	rddreg [dreg:$0x0];
	s2 =	stileid.u32  }
0x12f: {  	s1 =	rddreg [dreg:$0x1];
	p0 =	sne.s32 s2, $0x0  }
0x130: {  	s3 =	rddreg [dreg:$0x2];
	[bflag:$0x3] =	sbarrier.arrive $0xFFFF;
	s2 =	simm.s32 @!p0 $0x1C02  }
0x131: {  	[timem:s3], [sflag:s2] =	dma.local @!p0 [hbm:s0], s1  }
0x132: {  	s0 =	simm.s32 @!p0 $0x2  }
0x133: {  	_ =	swait.ge @!p0 [sflag:s0], s1  }
0x134: {  	s1 =	ssub.s32 @!p0 $0x0, s1;
	[sflag:s0] =	ssyncset.done @!p0 $0x0  }
0x135: {  	[sflag:s0] =	ssyncadd.s32 @!p0 s1  }
0x136: {  	[bflag:$0x3] =	sbarrier.arrive $0xFFFF  }
0x137: {  	_ =	shalt  }

</sc_bundles>
